<compile_context>
chip_gen: v7x
topology: tpu7x:2x2x1
jax: 0.10.2.dev20260603
libtpu: 0.0.44.dev20260713+nightly
codegen_flags: <defaults>
</compile_context>

<pallas_src>
import functools

import jax
import jax.numpy as jnp
from jax import lax
from jax.experimental import pallas as pl
from jax.experimental.pallas import tpu as pltpu
from jax.experimental.pallas import tpu_sc as plsc

HID = 768
EPS = 1e-12

_NUM_CORES = 2
_NUM_SUBCORES = 16
_NW = _NUM_CORES * _NUM_SUBCORES

_CHUNK = 64


def _sc_gather(table, idx2d):
    n_chunks = idx2d.shape[0]
    chunks_per_w = n_chunks // _NW
    n_tokens = n_chunks * _CHUNK
    mesh = plsc.VectorSubcoreMesh(core_axis_name="c", subcore_axis_name="s")

    @functools.partial(
        pl.kernel,
        mesh=mesh,
        out_type=jax.ShapeDtypeStruct((n_tokens, HID), jnp.float32),
        scratch_types=[
            pltpu.VMEM((chunks_per_w, _CHUNK), jnp.int32),
            pltpu.VMEM((2, _CHUNK, HID), jnp.float32),
            pltpu.SemaphoreType.DMA,
            pltpu.SemaphoreType.DMA,
        ],
    )
    def gather_kernel(table_hbm, idx_hbm, out_hbm, idx_v, rows_v, gsem, osem):
        wid = lax.axis_index("s") * _NUM_CORES + lax.axis_index("c")
        chunk0 = wid * chunks_per_w
        base = chunk0 * _CHUNK
        pltpu.sync_copy(idx_hbm.at[pl.ds(chunk0, chunks_per_w)], idx_v)

        def start_gather(j):
            return pltpu.async_copy(
                table_hbm.at[idx_v.at[j]], rows_v.at[j % 2], gsem)

        def start_out(j):
            return pltpu.async_copy(
                rows_v.at[j % 2],
                out_hbm.at[pl.ds(base + j * _CHUNK, _CHUNK)], osem)

        outs = [None] * chunks_per_w
        g = start_gather(0)
        for j in range(chunks_per_w):
            g.wait()
            outs[j] = start_out(j)
            if j + 1 < chunks_per_w:
                if j >= 1:
                    outs[j - 1].wait()
                g = start_gather(j + 1)
        if chunks_per_w >= 2:
            outs[chunks_per_w - 2].wait()
        outs[chunks_per_w - 1].wait()

    return gather_kernel(table, idx2d)


def _ln_body(x_ref, pos_ref, type_ref, gamma_ref, beta_ref, o_ref):
    x = x_ref[0] + (pos_ref[...] + type_ref[...])
    mean = jnp.mean(x, axis=-1, keepdims=True)
    msq = jnp.mean(x * x, axis=-1, keepdims=True)
    var = msq - mean * mean
    rstd = lax.rsqrt(var + EPS)
    o_ref[0] = (x - mean) * (rstd * gamma_ref[...]) + beta_ref[...]


def _ln_slab_body(buf_ref, x_ref, pos_ref, type_ref, gamma_ref, beta_ref,
                  o_ref):
    del buf_ref
    _ln_body(x_ref, pos_ref, type_ref, gamma_ref, beta_ref, o_ref)


def _ln_slab(x_slab, pos_emb, type_row, gamma, beta, out_shape, j0,
             buf=None):
    B, s_slab, _ = x_slab.shape
    BS = _LN_BS
    grid = (s_slab // BS, B)
    data_specs = [
        pl.BlockSpec((1, BS, HID), lambda j, b: (b, j, 0)),
        pl.BlockSpec((BS, HID), lambda j, b: (j0 + j, 0)),
        pl.BlockSpec((1, HID), lambda j, b: (0, 0)),
        pl.BlockSpec((1, HID), lambda j, b: (0, 0)),
        pl.BlockSpec((1, HID), lambda j, b: (0, 0)),
    ]
    out_spec = pl.BlockSpec((1, BS, HID), lambda j, b: (b, j0 + j, 0))
    if buf is None:
        return pl.pallas_call(
            _ln_body, grid=grid, in_specs=data_specs, out_specs=out_spec,
            out_shape=out_shape,
        )(x_slab, pos_emb, type_row, gamma, beta)
    return pl.pallas_call(
        _ln_slab_body, grid=grid,
        in_specs=[pl.BlockSpec(memory_space=pl.ANY)] + data_specs,
        out_specs=out_spec, out_shape=out_shape,
        input_output_aliases={0: 0},
    )(buf, x_slab, pos_emb, type_row, gamma, beta)


_K_SLABS = 2
_LN_BS = 2048


def kernel(input_ids, word_emb, pos_emb, type_emb, ln_gamma, ln_beta):
    B, S = input_ids.shape
    ids = input_ids.astype(jnp.int32)
    type_row = type_emb[0:1]
    gamma = ln_gamma.reshape(1, HID)
    beta = ln_beta.reshape(1, HID)
    out_shape = jax.ShapeDtypeStruct((B, S, HID), jnp.float32)
    s_slab = S // _K_SLABS
    gathered = []
    for k in range(_K_SLABS):
        ids_k = lax.dynamic_slice_in_dim(ids, k * s_slab, s_slab, axis=1)
        g = _sc_gather(word_emb,
                       ids_k.reshape(B * s_slab // _CHUNK, _CHUNK))
        gathered.append(g.reshape(B, s_slab, HID))
    buf = None
    for k in range(_K_SLABS):
        buf = _ln_slab(gathered[k], pos_emb, type_row, gamma, beta,
                       out_shape, k * (s_slab // _LN_BS), buf)
    return buf

# --- scband reference (transcript-rebuilt; emitter-appended) ---
"""Pipeline reference for scband-bi-gsembeddings-90426241449995 (READ-ONLY COPY).

The authoritative reference and input builder live on the scoring server;
editing this copy changes nothing except your own understanding.
"""

import jax, jax.numpy as jnp
import numpy as np

VOCAB = 100000
HID = 768
MAXPOS = 4096
TYPES = 2
B = 4
S = 4096
EPS = 1e-12


def setup_inputs(seed: int = 0) -> dict:
    key = jax.random.key(seed)
    k1, k2, k3, k4 = jax.random.split(key, 4)
    input_ids = jax.random.randint(k1, (B, S), 0, VOCAB, dtype=jnp.int32).astype(jnp.int64)
    word_emb = jax.random.normal(k2, (VOCAB, HID), dtype=jnp.float32) * 0.02
    word_emb = word_emb.at[0].set(0.0)  # padding_idx = 0
    pos_emb = jax.random.normal(k3, (MAXPOS, HID), dtype=jnp.float32) * 0.02
    type_emb = jax.random.normal(k4, (TYPES, HID), dtype=jnp.float32) * 0.02
    ln_gamma = jnp.ones((HID,), dtype=jnp.float32)
    ln_beta = jnp.zeros((HID,), dtype=jnp.float32)
    return {
        "input_ids": input_ids,
        "word_emb": word_emb,
        "pos_emb": pos_emb,
        "type_emb": type_emb,
        "ln_gamma": ln_gamma,
        "ln_beta": ln_beta,
    }


def reference(input_ids, word_emb, pos_emb, type_emb, ln_gamma, ln_beta):
    batch, seq_len = input_ids.shape
    # position_ids default: arange(seq_len), broadcast over batch
    position_ids = jnp.arange(seq_len, dtype=jnp.int32)
    # token_type_ids default: zeros
    token_type_ids = jnp.zeros((batch, seq_len), dtype=jnp.int32)

    inputs_embeds = jnp.take(word_emb, input_ids, axis=0)            # [B, S, H]
    token_type_embeddings = jnp.take(type_emb, token_type_ids, axis=0)  # [B, S, H]
    embeddings = inputs_embeds + token_type_embeddings
    position_embeddings = jnp.take(pos_emb, position_ids, axis=0)    # [S, H]
    embeddings = embeddings + position_embeddings[None, :, :]

    # LayerNorm over last dim, eps=1e-12
    mean = jnp.mean(embeddings, axis=-1, keepdims=True)
    var = jnp.mean((embeddings - mean) ** 2, axis=-1, keepdims=True)
    normed = (embeddings - mean) / jnp.sqrt(var + EPS)
    out = normed * ln_gamma + ln_beta
    # dropout p=0.0 (eval) -> identity
    return out

if __name__ == "__main__":
    import jax
    _d = setup_inputs()
    print(jax.jit(kernel)(*tuple(_d.values())))

</pallas_src>

<mosaic_0001>
#map = affine_map<(d0, d1) -> (0, 0)>
module attributes {stable_mosaic.version = 14 : i64} {
  func.func @gather_kernel(%arg0: i32, %arg1: i32, %arg2: memref<100000x768xf32, #tpu.memory_space<hbm>>, %arg3: memref<128x64xi32, #tpu.memory_space<hbm>>, %arg4: memref<8192x768xf32, #tpu.memory_space<hbm>>, %arg5: memref<4x64xi32, #tpu.memory_space<vmem>>, %arg6: memref<2x64x768xf32, #tpu.memory_space<vmem>>, %arg7: memref<!tpu.dma_semaphore, #tpu.memory_space<semaphore_mem>>, %arg8: memref<!tpu.dma_semaphore, #tpu.memory_space<semaphore_mem>>) attributes {dimension_semantics = [#tpu.dimension_semantics<core_parallel>, #tpu.dimension_semantics<subcore_parallel>], iteration_bounds = array<i64: 2, 16>, scalar_prefetch = 0 : i64, scratch_operands = 4 : i64, tpu.core_type = #tpu.core_type<sc_vector_subcore>, window_params = [{transform_indices = #map}, {transform_indices = #map}, {transform_indices = #map}]} {
    %mul3A = arith.constant 2 : i32
    %mul3A_0 = arith.muli %arg1, %mul3A : i32
    %add3A = arith.addi %mul3A_0, %arg0 : i32
    %mul3A_1 = arith.constant 4 : i32
    %mul3A_2 = arith.muli %add3A, %mul3A_1 : i32
    %mul3A_3 = arith.constant 64 : i32
    %mul3A_4 = arith.muli %mul3A_2, %mul3A_3 : i32
    "tpu.region"() ({
      %run_scoped3A = tpu.sem_alloc : memref<!tpu.dma_semaphore, #tpu.memory_space<semaphore_mem>>
      %dma_start3A_211 = arith.constant 0 : i32
      %dma_start3A_212 = tpu.memref_slice %arg3[%mul3A_2, %dma_start3A_211] : memref<128x64xi32, #tpu.memory_space<hbm>> -> memref<4x64xi32, #tpu.memory_space<hbm>>
      %dma_start3A_213 = arith.constant 0 : i32
      %dma_start3A_214 = tpu.memref_slice %arg3[%mul3A_2, %dma_start3A_213] : memref<128x64xi32, #tpu.memory_space<hbm>> -> memref<4x64xi32, #tpu.memory_space<hbm>>
      tpu.enqueue_dma source(%dma_start3A_214 : memref<4x64xi32, #tpu.memory_space<hbm>>) target(%arg5 : memref<4x64xi32, #tpu.memory_space<vmem>>) target_semaphore(%run_scoped3A : memref<!tpu.dma_semaphore, #tpu.memory_space<semaphore_mem>>)
      %dma_wait3A_215 = arith.constant 0 : i32
      %dma_wait3A_216 = tpu.memref_slice %arg3[%mul3A_2, %dma_wait3A_215] : memref<128x64xi32, #tpu.memory_space<hbm>> -> memref<4x64xi32, #tpu.memory_space<hbm>>
      %dma_wait3A_217 = arith.constant 0 : i32
      %dma_wait3A_218 = tpu.memref_slice %arg3[%mul3A_2, %dma_wait3A_217] : memref<128x64xi32, #tpu.memory_space<hbm>> -> memref<4x64xi32, #tpu.memory_space<hbm>>
      tpu.wait_dma2 semaphore(%run_scoped3A : memref<!tpu.dma_semaphore, #tpu.memory_space<semaphore_mem>>) src(%dma_wait3A_218 : memref<4x64xi32, #tpu.memory_space<hbm>>) dst(%arg5 : memref<4x64xi32, #tpu.memory_space<vmem>>)
      tpu.yield
    }) : () -> ()
    %dma_start3A = arith.constant 0 : i32
    %dma_start3A_5 = arith.constant 0 : i32
    %dma_start3A_6 = arith.constant 0 : i32
    %dma_start3A_7 = arith.constant 0 : i32
    %dma_start3A_8 = tpu.memref_slice %arg6[%dma_start3A_5, %dma_start3A_6, %dma_start3A_7] : memref<2x64x768xf32, #tpu.memory_space<vmem>> -> memref<1x64x768xf32, #tpu.memory_space<vmem>>
    %dma_start3A_9 = tpu.memref_squeeze %dma_start3A_8 : memref<1x64x768xf32, #tpu.memory_space<vmem>> -> memref<64x768xf32, #tpu.memory_space<vmem>>
    %dma_start3A_10 = arith.constant 0 : i32
    %dma_start3A_11 = tpu.memref_slice %arg5[%dma_start3A, %dma_start3A_10] : memref<4x64xi32, #tpu.memory_space<vmem>> -> memref<1x64xi32, #tpu.memory_space<vmem>>
    %dma_start3A_12 = tpu.memref_squeeze %dma_start3A_11 : memref<1x64xi32, #tpu.memory_space<vmem>> -> memref<64xi32, #tpu.memory_space<vmem>>
    %dma_start3A_13 = arith.constant 0 : i32
    %dma_start3A_14 = arith.constant 0 : i32
    %dma_start3A_15 = tpu.memref_slice %arg2[%dma_start3A_13, %dma_start3A_14] : memref<100000x768xf32, #tpu.memory_space<hbm>> -> memref<100000x768xf32, #tpu.memory_space<hbm>>
    tpu.enqueue_indirect_dma source(%dma_start3A_15 : memref<100000x768xf32, #tpu.memory_space<hbm>>) target(%dma_start3A_9 : memref<64x768xf32, #tpu.memory_space<vmem>>) offsets(%dma_start3A_12 : memref<64xi32, #tpu.memory_space<vmem>>) semaphore(%arg7 : memref<!tpu.dma_semaphore, #tpu.memory_space<semaphore_mem>>)
    %dma_wait3A = arith.constant 0 : i32
    %dma_wait3A_16 = arith.constant 0 : i32
    %dma_wait3A_17 = arith.constant 0 : i32
    %dma_wait3A_18 = arith.constant 0 : i32
    %dma_wait3A_19 = tpu.memref_slice %arg6[%dma_wait3A_16, %dma_wait3A_17, %dma_wait3A_18] : memref<2x64x768xf32, #tpu.memory_space<vmem>> -> memref<1x64x768xf32, #tpu.memory_space<vmem>>
    %dma_wait3A_20 = tpu.memref_squeeze %dma_wait3A_19 : memref<1x64x768xf32, #tpu.memory_space<vmem>> -> memref<64x768xf32, #tpu.memory_space<vmem>>
    %dma_wait3A_21 = arith.constant 0 : i32
    %dma_wait3A_22 = tpu.memref_slice %arg5[%dma_wait3A, %dma_wait3A_21] : memref<4x64xi32, #tpu.memory_space<vmem>> -> memref<1x64xi32, #tpu.memory_space<vmem>>
    %dma_wait3A_23 = tpu.memref_squeeze %dma_wait3A_22 : memref<1x64xi32, #tpu.memory_space<vmem>> -> memref<64xi32, #tpu.memory_space<vmem>>
    %dma_wait3A_24 = arith.constant 0 : i32
    %dma_wait3A_25 = arith.constant 0 : i32
    %dma_wait3A_26 = tpu.memref_slice %arg2[%dma_wait3A_24, %dma_wait3A_25] : memref<100000x768xf32, #tpu.memory_space<hbm>> -> memref<100000x768xf32, #tpu.memory_space<hbm>>
    tpu.wait_indirect_dma semaphore(%arg7 : memref<!tpu.dma_semaphore, #tpu.memory_space<semaphore_mem>>) src(%dma_wait3A_26 : memref<100000x768xf32, #tpu.memory_space<hbm>>) dst(%dma_wait3A_20 : memref<64x768xf32, #tpu.memory_space<vmem>>)
    %add3A_27 = arith.constant 0 : i32
    %add3A_28 = arith.addi %mul3A_4, %add3A_27 : i32
    %dma_start3A_29 = arith.constant 0 : i32
    %dma_start3A_30 = arith.constant 0 : i32
    %dma_start3A_31 = arith.constant 0 : i32
    %dma_start3A_32 = tpu.memref_slice %arg6[%dma_start3A_29, %dma_start3A_30, %dma_start3A_31] : memref<2x64x768xf32, #tpu.memory_space<vmem>> -> memref<1x64x768xf32, #tpu.memory_space<vmem>>
    %dma_start3A_33 = tpu.memref_squeeze %dma_start3A_32 : memref<1x64x768xf32, #tpu.memory_space<vmem>> -> memref<64x768xf32, #tpu.memory_space<vmem>>
    %dma_start3A_34 = arith.constant 0 : i32
    %dma_start3A_35 = tpu.memref_slice %arg4[%add3A_28, %dma_start3A_34] : memref<8192x768xf32, #tpu.memory_space<hbm>> -> memref<64x768xf32, #tpu.memory_space<hbm>>
    %dma_start3A_36 = arith.constant 0 : i32
    %dma_start3A_37 = tpu.memref_slice %arg4[%add3A_28, %dma_start3A_36] : memref<8192x768xf32, #tpu.memory_space<hbm>> -> memref<64x768xf32, #tpu.memory_space<hbm>>
    %dma_start3A_38 = arith.constant 0 : i32
    %dma_start3A_39 = arith.constant 0 : i32
    %dma_start3A_40 = tpu.memref_slice %arg6[%dma_start3A_29, %dma_start3A_38, %dma_start3A_39] : memref<2x64x768xf32, #tpu.memory_space<vmem>> -> memref<1x64x768xf32, #tpu.memory_space<vmem>>
    %dma_start3A_41 = tpu.memref_squeeze %dma_start3A_40 : memref<1x64x768xf32, #tpu.memory_space<vmem>> -> memref<64x768xf32, #tpu.memory_space<vmem>>
    tpu.enqueue_dma source(%dma_start3A_41 : memref<64x768xf32, #tpu.memory_space<vmem>>) target(%dma_start3A_37 : memref<64x768xf32, #tpu.memory_space<hbm>>) target_semaphore(%arg8 : memref<!tpu.dma_semaphore, #tpu.memory_space<semaphore_mem>>)
    %dma_start3A_42 = arith.constant 1 : i32
    %dma_start3A_43 = arith.constant 1 : i32
    %dma_start3A_44 = arith.constant 0 : i32
    %dma_start3A_45 = arith.constant 0 : i32
    %dma_start3A_46 = tpu.memref_slice %arg6[%dma_start3A_43, %dma_start3A_44, %dma_start3A_45] : memref<2x64x768xf32, #tpu.memory_space<vmem>> -> memref<1x64x768xf32, #tpu.memory_space<vmem>>
    %dma_start3A_47 = tpu.memref_squeeze %dma_start3A_46 : memref<1x64x768xf32, #tpu.memory_space<vmem>> -> memref<64x768xf32, #tpu.memory_space<vmem>>
    %dma_start3A_48 = arith.constant 0 : i32
    %dma_start3A_49 = tpu.memref_slice %arg5[%dma_start3A_42, %dma_start3A_48] : memref<4x64xi32, #tpu.memory_space<vmem>> -> memref<1x64xi32, #tpu.memory_space<vmem>>
    %dma_start3A_50 = tpu.memref_squeeze %dma_start3A_49 : memref<1x64xi32, #tpu.memory_space<vmem>> -> memref<64xi32, #tpu.memory_space<vmem>>
    %dma_start3A_51 = arith.constant 0 : i32
    %dma_start3A_52 = arith.constant 0 : i32
    %dma_start3A_53 = tpu.memref_slice %arg2[%dma_start3A_51, %dma_start3A_52] : memref<100000x768xf32, #tpu.memory_space<hbm>> -> memref<100000x768xf32, #tpu.memory_space<hbm>>
    tpu.enqueue_indirect_dma source(%dma_start3A_53 : memref<100000x768xf32, #tpu.memory_space<hbm>>) target(%dma_start3A_47 : memref<64x768xf32, #tpu.memory_space<vmem>>) offsets(%dma_start3A_50 : memref<64xi32, #tpu.memory_space<vmem>>) semaphore(%arg7 : memref<!tpu.dma_semaphore, #tpu.memory_space<semaphore_mem>>)
    %dma_wait3A_54 = arith.constant 1 : i32
    %dma_wait3A_55 = arith.constant 1 : i32
    %dma_wait3A_56 = arith.constant 0 : i32
    %dma_wait3A_57 = arith.constant 0 : i32
    %dma_wait3A_58 = tpu.memref_slice %arg6[%dma_wait3A_55, %dma_wait3A_56, %dma_wait3A_57] : memref<2x64x768xf32, #tpu.memory_space<vmem>> -> memref<1x64x768xf32, #tpu.memory_space<vmem>>
    %dma_wait3A_59 = tpu.memref_squeeze %dma_wait3A_58 : memref<1x64x768xf32, #tpu.memory_space<vmem>> -> memref<64x768xf32, #tpu.memory_space<vmem>>
    %dma_wait3A_60 = arith.constant 0 : i32
    %dma_wait3A_61 = tpu.memref_slice %arg5[%dma_wait3A_54, %dma_wait3A_60] : memref<4x64xi32, #tpu.memory_space<vmem>> -> memref<1x64xi32, #tpu.memory_space<vmem>>
    %dma_wait3A_62 = tpu.memref_squeeze %dma_wait3A_61 : memref<1x64xi32, #tpu.memory_space<vmem>> -> memref<64xi32, #tpu.memory_space<vmem>>
    %dma_wait3A_63 = arith.constant 0 : i32
    %dma_wait3A_64 = arith.constant 0 : i32
    %dma_wait3A_65 = tpu.memref_slice %arg2[%dma_wait3A_63, %dma_wait3A_64] : memref<100000x768xf32, #tpu.memory_space<hbm>> -> memref<100000x768xf32, #tpu.memory_space<hbm>>
    tpu.wait_indirect_dma semaphore(%arg7 : memref<!tpu.dma_semaphore, #tpu.memory_space<semaphore_mem>>) src(%dma_wait3A_65 : memref<100000x768xf32, #tpu.memory_space<hbm>>) dst(%dma_wait3A_59 : memref<64x768xf32, #tpu.memory_space<vmem>>)
    %add3A_66 = arith.constant 64 : i32
    %add3A_67 = arith.addi %mul3A_4, %add3A_66 : i32
    %dma_start3A_68 = arith.constant 1 : i32
    %dma_start3A_69 = arith.constant 0 : i32
    %dma_start3A_70 = arith.constant 0 : i32
    %dma_start3A_71 = tpu.memref_slice %arg6[%dma_start3A_68, %dma_start3A_69, %dma_start3A_70] : memref<2x64x768xf32, #tpu.memory_space<vmem>> -> memref<1x64x768xf32, #tpu.memory_space<vmem>>
    %dma_start3A_72 = tpu.memref_squeeze %dma_start3A_71 : memref<1x64x768xf32, #tpu.memory_space<vmem>> -> memref<64x768xf32, #tpu.memory_space<vmem>>
    %dma_start3A_73 = arith.constant 0 : i32
    %dma_start3A_74 = tpu.memref_slice %arg4[%add3A_67, %dma_start3A_73] : memref<8192x768xf32, #tpu.memory_space<hbm>> -> memref<64x768xf32, #tpu.memory_space<hbm>>
    %dma_start3A_75 = arith.constant 0 : i32
    %dma_start3A_76 = tpu.memref_slice %arg4[%add3A_67, %dma_start3A_75] : memref<8192x768xf32, #tpu.memory_space<hbm>> -> memref<64x768xf32, #tpu.memory_space<hbm>>
    %dma_start3A_77 = arith.constant 0 : i32
    %dma_start3A_78 = arith.constant 0 : i32
    %dma_start3A_79 = tpu.memref_slice %arg6[%dma_start3A_68, %dma_start3A_77, %dma_start3A_78] : memref<2x64x768xf32, #tpu.memory_space<vmem>> -> memref<1x64x768xf32, #tpu.memory_space<vmem>>
    %dma_start3A_80 = tpu.memref_squeeze %dma_start3A_79 : memref<1x64x768xf32, #tpu.memory_space<vmem>> -> memref<64x768xf32, #tpu.memory_space<vmem>>
    tpu.enqueue_dma source(%dma_start3A_80 : memref<64x768xf32, #tpu.memory_space<vmem>>) target(%dma_start3A_76 : memref<64x768xf32, #tpu.memory_space<hbm>>) target_semaphore(%arg8 : memref<!tpu.dma_semaphore, #tpu.memory_space<semaphore_mem>>)
    %dma_wait3A_81 = arith.constant 0 : i32
    %dma_wait3A_82 = arith.constant 0 : i32
    %dma_wait3A_83 = arith.constant 0 : i32
    %dma_wait3A_84 = tpu.memref_slice %arg6[%dma_wait3A_81, %dma_wait3A_82, %dma_wait3A_83] : memref<2x64x768xf32, #tpu.memory_space<vmem>> -> memref<1x64x768xf32, #tpu.memory_space<vmem>>
    %dma_wait3A_85 = tpu.memref_squeeze %dma_wait3A_84 : memref<1x64x768xf32, #tpu.memory_space<vmem>> -> memref<64x768xf32, #tpu.memory_space<vmem>>
    %dma_wait3A_86 = arith.constant 0 : i32
    %dma_wait3A_87 = tpu.memref_slice %arg4[%add3A_28, %dma_wait3A_86] : memref<8192x768xf32, #tpu.memory_space<hbm>> -> memref<64x768xf32, #tpu.memory_space<hbm>>
    %dma_wait3A_88 = arith.constant 0 : i32
    %dma_wait3A_89 = tpu.memref_slice %arg4[%add3A_28, %dma_wait3A_88] : memref<8192x768xf32, #tpu.memory_space<hbm>> -> memref<64x768xf32, #tpu.memory_space<hbm>>
    %dma_wait3A_90 = arith.constant 0 : i32
    %dma_wait3A_91 = arith.constant 0 : i32
    %dma_wait3A_92 = tpu.memref_slice %arg6[%dma_wait3A_81, %dma_wait3A_90, %dma_wait3A_91] : memref<2x64x768xf32, #tpu.memory_space<vmem>> -> memref<1x64x768xf32, #tpu.memory_space<vmem>>
    %dma_wait3A_93 = tpu.memref_squeeze %dma_wait3A_92 : memref<1x64x768xf32, #tpu.memory_space<vmem>> -> memref<64x768xf32, #tpu.memory_space<vmem>>
    tpu.wait_dma2 semaphore(%arg8 : memref<!tpu.dma_semaphore, #tpu.memory_space<semaphore_mem>>) src(%dma_wait3A_93 : memref<64x768xf32, #tpu.memory_space<vmem>>) dst(%dma_wait3A_89 : memref<64x768xf32, #tpu.memory_space<hbm>>)
    %dma_start3A_94 = arith.constant 2 : i32
    %dma_start3A_95 = arith.constant 0 : i32
    %dma_start3A_96 = arith.constant 0 : i32
    %dma_start3A_97 = arith.constant 0 : i32
    %dma_start3A_98 = tpu.memref_slice %arg6[%dma_start3A_95, %dma_start3A_96, %dma_start3A_97] : memref<2x64x768xf32, #tpu.memory_space<vmem>> -> memref<1x64x768xf32, #tpu.memory_space<vmem>>
    %dma_start3A_99 = tpu.memref_squeeze %dma_start3A_98 : memref<1x64x768xf32, #tpu.memory_space<vmem>> -> memref<64x768xf32, #tpu.memory_space<vmem>>
    %dma_start3A_100 = arith.constant 0 : i32
    %dma_start3A_101 = tpu.memref_slice %arg5[%dma_start3A_94, %dma_start3A_100] : memref<4x64xi32, #tpu.memory_space<vmem>> -> memref<1x64xi32, #tpu.memory_space<vmem>>
    %dma_start3A_102 = tpu.memref_squeeze %dma_start3A_101 : memref<1x64xi32, #tpu.memory_space<vmem>> -> memref<64xi32, #tpu.memory_space<vmem>>
    %dma_start3A_103 = arith.constant 0 : i32
    %dma_start3A_104 = arith.constant 0 : i32
    %dma_start3A_105 = tpu.memref_slice %arg2[%dma_start3A_103, %dma_start3A_104] : memref<100000x768xf32, #tpu.memory_space<hbm>> -> memref<100000x768xf32, #tpu.memory_space<hbm>>
    tpu.enqueue_indirect_dma source(%dma_start3A_105 : memref<100000x768xf32, #tpu.memory_space<hbm>>) target(%dma_start3A_99 : memref<64x768xf32, #tpu.memory_space<vmem>>) offsets(%dma_start3A_102 : memref<64xi32, #tpu.memory_space<vmem>>) semaphore(%arg7 : memref<!tpu.dma_semaphore, #tpu.memory_space<semaphore_mem>>)
    %dma_wait3A_106 = arith.constant 2 : i32
    %dma_wait3A_107 = arith.constant 0 : i32
    %dma_wait3A_108 = arith.constant 0 : i32
    %dma_wait3A_109 = arith.constant 0 : i32
    %dma_wait3A_110 = tpu.memref_slice %arg6[%dma_wait3A_107, %dma_wait3A_108, %dma_wait3A_109] : memref<2x64x768xf32, #tpu.memory_space<vmem>> -> memref<1x64x768xf32, #tpu.memory_space<vmem>>
    %dma_wait3A_111 = tpu.memref_squeeze %dma_wait3A_110 : memref<1x64x768xf32, #tpu.memory_space<vmem>> -> memref<64x768xf32, #tpu.memory_space<vmem>>
    %dma_wait3A_112 = arith.constant 0 : i32
    %dma_wait3A_113 = tpu.memref_slice %arg5[%dma_wait3A_106, %dma_wait3A_112] : memref<4x64xi32, #tpu.memory_space<vmem>> -> memref<1x64xi32, #tpu.memory_space<vmem>>
    %dma_wait3A_114 = tpu.memref_squeeze %dma_wait3A_113 : memref<1x64xi32, #tpu.memory_space<vmem>> -> memref<64xi32, #tpu.memory_space<vmem>>
    %dma_wait3A_115 = arith.constant 0 : i32
    %dma_wait3A_116 = arith.constant 0 : i32
    %dma_wait3A_117 = tpu.memref_slice %arg2[%dma_wait3A_115, %dma_wait3A_116] : memref<100000x768xf32, #tpu.memory_space<hbm>> -> memref<100000x768xf32, #tpu.memory_space<hbm>>
    tpu.wait_indirect_dma semaphore(%arg7 : memref<!tpu.dma_semaphore, #tpu.memory_space<semaphore_mem>>) src(%dma_wait3A_117 : memref<100000x768xf32, #tpu.memory_space<hbm>>) dst(%dma_wait3A_111 : memref<64x768xf32, #tpu.memory_space<vmem>>)
    %add3A_118 = arith.constant 128 : i32
    %add3A_119 = arith.addi %mul3A_4, %add3A_118 : i32
    %dma_start3A_120 = arith.constant 0 : i32
    %dma_start3A_121 = arith.constant 0 : i32
    %dma_start3A_122 = arith.constant 0 : i32
    %dma_start3A_123 = tpu.memref_slice %arg6[%dma_start3A_120, %dma_start3A_121, %dma_start3A_122] : memref<2x64x768xf32, #tpu.memory_space<vmem>> -> memref<1x64x768xf32, #tpu.memory_space<vmem>>
    %dma_start3A_124 = tpu.memref_squeeze %dma_start3A_123 : memref<1x64x768xf32, #tpu.memory_space<vmem>> -> memref<64x768xf32, #tpu.memory_space<vmem>>
    %dma_start3A_125 = arith.constant 0 : i32
    %dma_start3A_126 = tpu.memref_slice %arg4[%add3A_119, %dma_start3A_125] : memref<8192x768xf32, #tpu.memory_space<hbm>> -> memref<64x768xf32, #tpu.memory_space<hbm>>
    %dma_start3A_127 = arith.constant 0 : i32
    %dma_start3A_128 = tpu.memref_slice %arg4[%add3A_119, %dma_start3A_127] : memref<8192x768xf32, #tpu.memory_space<hbm>> -> memref<64x768xf32, #tpu.memory_space<hbm>>
    %dma_start3A_129 = arith.constant 0 : i32
    %dma_start3A_130 = arith.constant 0 : i32
    %dma_start3A_131 = tpu.memref_slice %arg6[%dma_start3A_120, %dma_start3A_129, %dma_start3A_130] : memref<2x64x768xf32, #tpu.memory_space<vmem>> -> memref<1x64x768xf32, #tpu.memory_space<vmem>>
    %dma_start3A_132 = tpu.memref_squeeze %dma_start3A_131 : memref<1x64x768xf32, #tpu.memory_space<vmem>> -> memref<64x768xf32, #tpu.memory_space<vmem>>
    tpu.enqueue_dma source(%dma_start3A_132 : memref<64x768xf32, #tpu.memory_space<vmem>>) target(%dma_start3A_128 : memref<64x768xf32, #tpu.memory_space<hbm>>) target_semaphore(%arg8 : memref<!tpu.dma_semaphore, #tpu.memory_space<semaphore_mem>>)
    %dma_wait3A_133 = arith.constant 1 : i32
    %dma_wait3A_134 = arith.constant 0 : i32
    %dma_wait3A_135 = arith.constant 0 : i32
    %dma_wait3A_136 = tpu.memref_slice %arg6[%dma_wait3A_133, %dma_wait3A_134, %dma_wait3A_135] : memref<2x64x768xf32, #tpu.memory_space<vmem>> -> memref<1x64x768xf32, #tpu.memory_space<vmem>>
    %dma_wait3A_137 = tpu.memref_squeeze %dma_wait3A_136 : memref<1x64x768xf32, #tpu.memory_space<vmem>> -> memref<64x768xf32, #tpu.memory_space<vmem>>
    %dma_wait3A_138 = arith.constant 0 : i32
    %dma_wait3A_139 = tpu.memref_slice %arg4[%add3A_67, %dma_wait3A_138] : memref<8192x768xf32, #tpu.memory_space<hbm>> -> memref<64x768xf32, #tpu.memory_space<hbm>>
    %dma_wait3A_140 = arith.constant 0 : i32
    %dma_wait3A_141 = tpu.memref_slice %arg4[%add3A_67, %dma_wait3A_140] : memref<8192x768xf32, #tpu.memory_space<hbm>> -> memref<64x768xf32, #tpu.memory_space<hbm>>
    %dma_wait3A_142 = arith.constant 0 : i32
    %dma_wait3A_143 = arith.constant 0 : i32
    %dma_wait3A_144 = tpu.memref_slice %arg6[%dma_wait3A_133, %dma_wait3A_142, %dma_wait3A_143] : memref<2x64x768xf32, #tpu.memory_space<vmem>> -> memref<1x64x768xf32, #tpu.memory_space<vmem>>
    %dma_wait3A_145 = tpu.memref_squeeze %dma_wait3A_144 : memref<1x64x768xf32, #tpu.memory_space<vmem>> -> memref<64x768xf32, #tpu.memory_space<vmem>>
    tpu.wait_dma2 semaphore(%arg8 : memref<!tpu.dma_semaphore, #tpu.memory_space<semaphore_mem>>) src(%dma_wait3A_145 : memref<64x768xf32, #tpu.memory_space<vmem>>) dst(%dma_wait3A_141 : memref<64x768xf32, #tpu.memory_space<hbm>>)
    %dma_start3A_146 = arith.constant 3 : i32
    %dma_start3A_147 = arith.constant 1 : i32
    %dma_start3A_148 = arith.constant 0 : i32
    %dma_start3A_149 = arith.constant 0 : i32
    %dma_start3A_150 = tpu.memref_slice %arg6[%dma_start3A_147, %dma_start3A_148, %dma_start3A_149] : memref<2x64x768xf32, #tpu.memory_space<vmem>> -> memref<1x64x768xf32, #tpu.memory_space<vmem>>
    %dma_start3A_151 = tpu.memref_squeeze %dma_start3A_150 : memref<1x64x768xf32, #tpu.memory_space<vmem>> -> memref<64x768xf32, #tpu.memory_space<vmem>>
    %dma_start3A_152 = arith.constant 0 : i32
    %dma_start3A_153 = tpu.memref_slice %arg5[%dma_start3A_146, %dma_start3A_152] : memref<4x64xi32, #tpu.memory_space<vmem>> -> memref<1x64xi32, #tpu.memory_space<vmem>>
    %dma_start3A_154 = tpu.memref_squeeze %dma_start3A_153 : memref<1x64xi32, #tpu.memory_space<vmem>> -> memref<64xi32, #tpu.memory_space<vmem>>
    %dma_start3A_155 = arith.constant 0 : i32
    %dma_start3A_156 = arith.constant 0 : i32
    %dma_start3A_157 = tpu.memref_slice %arg2[%dma_start3A_155, %dma_start3A_156] : memref<100000x768xf32, #tpu.memory_space<hbm>> -> memref<100000x768xf32, #tpu.memory_space<hbm>>
    tpu.enqueue_indirect_dma source(%dma_start3A_157 : memref<100000x768xf32, #tpu.memory_space<hbm>>) target(%dma_start3A_151 : memref<64x768xf32, #tpu.memory_space<vmem>>) offsets(%dma_start3A_154 : memref<64xi32, #tpu.memory_space<vmem>>) semaphore(%arg7 : memref<!tpu.dma_semaphore, #tpu.memory_space<semaphore_mem>>)
    %dma_wait3A_158 = arith.constant 3 : i32
    %dma_wait3A_159 = arith.constant 1 : i32
    %dma_wait3A_160 = arith.constant 0 : i32
    %dma_wait3A_161 = arith.constant 0 : i32
    %dma_wait3A_162 = tpu.memref_slice %arg6[%dma_wait3A_159, %dma_wait3A_160, %dma_wait3A_161] : memref<2x64x768xf32, #tpu.memory_space<vmem>> -> memref<1x64x768xf32, #tpu.memory_space<vmem>>
    %dma_wait3A_163 = tpu.memref_squeeze %dma_wait3A_162 : memref<1x64x768xf32, #tpu.memory_space<vmem>> -> memref<64x768xf32, #tpu.memory_space<vmem>>
    %dma_wait3A_164 = arith.constant 0 : i32
    %dma_wait3A_165 = tpu.memref_slice %arg5[%dma_wait3A_158, %dma_wait3A_164] : memref<4x64xi32, #tpu.memory_space<vmem>> -> memref<1x64xi32, #tpu.memory_space<vmem>>
    %dma_wait3A_166 = tpu.memref_squeeze %dma_wait3A_165 : memref<1x64xi32, #tpu.memory_space<vmem>> -> memref<64xi32, #tpu.memory_space<vmem>>
    %dma_wait3A_167 = arith.constant 0 : i32
    %dma_wait3A_168 = arith.constant 0 : i32
    %dma_wait3A_169 = tpu.memref_slice %arg2[%dma_wait3A_167, %dma_wait3A_168] : memref<100000x768xf32, #tpu.memory_space<hbm>> -> memref<100000x768xf32, #tpu.memory_space<hbm>>
    tpu.wait_indirect_dma semaphore(%arg7 : memref<!tpu.dma_semaphore, #tpu.memory_space<semaphore_mem>>) src(%dma_wait3A_169 : memref<100000x768xf32, #tpu.memory_space<hbm>>) dst(%dma_wait3A_163 : memref<64x768xf32, #tpu.memory_space<vmem>>)
    %add3A_170 = arith.constant 192 : i32
    %add3A_171 = arith.addi %mul3A_4, %add3A_170 : i32
    %dma_start3A_172 = arith.constant 1 : i32
    %dma_start3A_173 = arith.constant 0 : i32
    %dma_start3A_174 = arith.constant 0 : i32
    %dma_start3A_175 = tpu.memref_slice %arg6[%dma_start3A_172, %dma_start3A_173, %dma_start3A_174] : memref<2x64x768xf32, #tpu.memory_space<vmem>> -> memref<1x64x768xf32, #tpu.memory_space<vmem>>
    %dma_start3A_176 = tpu.memref_squeeze %dma_start3A_175 : memref<1x64x768xf32, #tpu.memory_space<vmem>> -> memref<64x768xf32, #tpu.memory_space<vmem>>
    %dma_start3A_177 = arith.constant 0 : i32
    %dma_start3A_178 = tpu.memref_slice %arg4[%add3A_171, %dma_start3A_177] : memref<8192x768xf32, #tpu.memory_space<hbm>> -> memref<64x768xf32, #tpu.memory_space<hbm>>
    %dma_start3A_179 = arith.constant 0 : i32
    %dma_start3A_180 = tpu.memref_slice %arg4[%add3A_171, %dma_start3A_179] : memref<8192x768xf32, #tpu.memory_space<hbm>> -> memref<64x768xf32, #tpu.memory_space<hbm>>
    %dma_start3A_181 = arith.constant 0 : i32
    %dma_start3A_182 = arith.constant 0 : i32
    %dma_start3A_183 = tpu.memref_slice %arg6[%dma_start3A_172, %dma_start3A_181, %dma_start3A_182] : memref<2x64x768xf32, #tpu.memory_space<vmem>> -> memref<1x64x768xf32, #tpu.memory_space<vmem>>
    %dma_start3A_184 = tpu.memref_squeeze %dma_start3A_183 : memref<1x64x768xf32, #tpu.memory_space<vmem>> -> memref<64x768xf32, #tpu.memory_space<vmem>>
    tpu.enqueue_dma source(%dma_start3A_184 : memref<64x768xf32, #tpu.memory_space<vmem>>) target(%dma_start3A_180 : memref<64x768xf32, #tpu.memory_space<hbm>>) target_semaphore(%arg8 : memref<!tpu.dma_semaphore, #tpu.memory_space<semaphore_mem>>)
    %dma_wait3A_185 = arith.constant 0 : i32
    %dma_wait3A_186 = arith.constant 0 : i32
    %dma_wait3A_187 = arith.constant 0 : i32
    %dma_wait3A_188 = tpu.memref_slice %arg6[%dma_wait3A_185, %dma_wait3A_186, %dma_wait3A_187] : memref<2x64x768xf32, #tpu.memory_space<vmem>> -> memref<1x64x768xf32, #tpu.memory_space<vmem>>
    %dma_wait3A_189 = tpu.memref_squeeze %dma_wait3A_188 : memref<1x64x768xf32, #tpu.memory_space<vmem>> -> memref<64x768xf32, #tpu.memory_space<vmem>>
    %dma_wait3A_190 = arith.constant 0 : i32
    %dma_wait3A_191 = tpu.memref_slice %arg4[%add3A_119, %dma_wait3A_190] : memref<8192x768xf32, #tpu.memory_space<hbm>> -> memref<64x768xf32, #tpu.memory_space<hbm>>
    %dma_wait3A_192 = arith.constant 0 : i32
    %dma_wait3A_193 = tpu.memref_slice %arg4[%add3A_119, %dma_wait3A_192] : memref<8192x768xf32, #tpu.memory_space<hbm>> -> memref<64x768xf32, #tpu.memory_space<hbm>>
    %dma_wait3A_194 = arith.constant 0 : i32
    %dma_wait3A_195 = arith.constant 0 : i32
    %dma_wait3A_196 = tpu.memref_slice %arg6[%dma_wait3A_185, %dma_wait3A_194, %dma_wait3A_195] : memref<2x64x768xf32, #tpu.memory_space<vmem>> -> memref<1x64x768xf32, #tpu.memory_space<vmem>>
    %dma_wait3A_197 = tpu.memref_squeeze %dma_wait3A_196 : memref<1x64x768xf32, #tpu.memory_space<vmem>> -> memref<64x768xf32, #tpu.memory_space<vmem>>
    tpu.wait_dma2 semaphore(%arg8 : memref<!tpu.dma_semaphore, #tpu.memory_space<semaphore_mem>>) src(%dma_wait3A_197 : memref<64x768xf32, #tpu.memory_space<vmem>>) dst(%dma_wait3A_193 : memref<64x768xf32, #tpu.memory_space<hbm>>)
    %dma_wait3A_198 = arith.constant 1 : i32
    %dma_wait3A_199 = arith.constant 0 : i32
    %dma_wait3A_200 = arith.constant 0 : i32
    %dma_wait3A_201 = tpu.memref_slice %arg6[%dma_wait3A_198, %dma_wait3A_199, %dma_wait3A_200] : memref<2x64x768xf32, #tpu.memory_space<vmem>> -> memref<1x64x768xf32, #tpu.memory_space<vmem>>
    %dma_wait3A_202 = tpu.memref_squeeze %dma_wait3A_201 : memref<1x64x768xf32, #tpu.memory_space<vmem>> -> memref<64x768xf32, #tpu.memory_space<vmem>>
    %dma_wait3A_203 = arith.constant 0 : i32
    %dma_wait3A_204 = tpu.memref_slice %arg4[%add3A_171, %dma_wait3A_203] : memref<8192x768xf32, #tpu.memory_space<hbm>> -> memref<64x768xf32, #tpu.memory_space<hbm>>
    %dma_wait3A_205 = arith.constant 0 : i32
    %dma_wait3A_206 = tpu.memref_slice %arg4[%add3A_171, %dma_wait3A_205] : memref<8192x768xf32, #tpu.memory_space<hbm>> -> memref<64x768xf32, #tpu.memory_space<hbm>>
    %dma_wait3A_207 = arith.constant 0 : i32
    %dma_wait3A_208 = arith.constant 0 : i32
    %dma_wait3A_209 = tpu.memref_slice %arg6[%dma_wait3A_198, %dma_wait3A_207, %dma_wait3A_208] : memref<2x64x768xf32, #tpu.memory_space<vmem>> -> memref<1x64x768xf32, #tpu.memory_space<vmem>>
    %dma_wait3A_210 = tpu.memref_squeeze %dma_wait3A_209 : memref<1x64x768xf32, #tpu.memory_space<vmem>> -> memref<64x768xf32, #tpu.memory_space<vmem>>
    tpu.wait_dma2 semaphore(%arg8 : memref<!tpu.dma_semaphore, #tpu.memory_space<semaphore_mem>>) src(%dma_wait3A_210 : memref<64x768xf32, #tpu.memory_space<vmem>>) dst(%dma_wait3A_206 : memref<64x768xf32, #tpu.memory_space<hbm>>)
    return
  }
}

#map = affine_map<(d0, d1) -> (0, 0)>
module attributes {stable_mosaic.version = 14 : i64} {
  func.func @gather_kernel(%arg0: i32, %arg1: i32, %arg2: memref<100000x768xf32, #tpu.memory_space<hbm>>, %arg3: memref<128x64xi32, #tpu.memory_space<hbm>>, %arg4: memref<8192x768xf32, #tpu.memory_space<hbm>>, %arg5: memref<4x64xi32, #tpu.memory_space<vmem>>, %arg6: memref<2x64x768xf32, #tpu.memory_space<vmem>>, %arg7: memref<!tpu.dma_semaphore, #tpu.memory_space<semaphore_mem>>, %arg8: memref<!tpu.dma_semaphore, #tpu.memory_space<semaphore_mem>>) attributes {dimension_semantics = [#tpu.dimension_semantics<core_parallel>, #tpu.dimension_semantics<subcore_parallel>], iteration_bounds = array<i64: 2, 16>, scalar_prefetch = 0 : i64, scratch_operands = 4 : i64, tpu.core_type = #tpu.core_type<sc_vector_subcore>, window_params = [{transform_indices = #map}, {transform_indices = #map}, {transform_indices = #map}]} {
    %mul3A = arith.constant 2 : i32
    %mul3A_0 = arith.muli %arg1, %mul3A : i32
    %add3A = arith.addi %mul3A_0, %arg0 : i32
    %mul3A_1 = arith.constant 4 : i32
    %mul3A_2 = arith.muli %add3A, %mul3A_1 : i32
    %mul3A_3 = arith.constant 64 : i32
    %mul3A_4 = arith.muli %mul3A_2, %mul3A_3 : i32
    "tpu.region"() ({
      %run_scoped3A = tpu.sem_alloc : memref<!tpu.dma_semaphore, #tpu.memory_space<semaphore_mem>>
      %dma_start3A_211 = arith.constant 0 : i32
      %dma_start3A_212 = tpu.memref_slice %arg3[%mul3A_2, %dma_start3A_211] : memref<128x64xi32, #tpu.memory_space<hbm>> -> memref<4x64xi32, #tpu.memory_space<hbm>>
      %dma_start3A_213 = arith.constant 0 : i32
      %dma_start3A_214 = tpu.memref_slice %arg3[%mul3A_2, %dma_start3A_213] : memref<128x64xi32, #tpu.memory_space<hbm>> -> memref<4x64xi32, #tpu.memory_space<hbm>>
      tpu.enqueue_dma source(%dma_start3A_214 : memref<4x64xi32, #tpu.memory_space<hbm>>) target(%arg5 : memref<4x64xi32, #tpu.memory_space<vmem>>) target_semaphore(%run_scoped3A : memref<!tpu.dma_semaphore, #tpu.memory_space<semaphore_mem>>)
      %dma_wait3A_215 = arith.constant 0 : i32
      %dma_wait3A_216 = tpu.memref_slice %arg3[%mul3A_2, %dma_wait3A_215] : memref<128x64xi32, #tpu.memory_space<hbm>> -> memref<4x64xi32, #tpu.memory_space<hbm>>
      %dma_wait3A_217 = arith.constant 0 : i32
      %dma_wait3A_218 = tpu.memref_slice %arg3[%mul3A_2, %dma_wait3A_217] : memref<128x64xi32, #tpu.memory_space<hbm>> -> memref<4x64xi32, #tpu.memory_space<hbm>>
      tpu.wait_dma2 semaphore(%run_scoped3A : memref<!tpu.dma_semaphore, #tpu.memory_space<semaphore_mem>>) src(%dma_wait3A_218 : memref<4x64xi32, #tpu.memory_space<hbm>>) dst(%arg5 : memref<4x64xi32, #tpu.memory_space<vmem>>)
      tpu.yield
    }) : () -> ()
    %dma_start3A = arith.constant 0 : i32
    %dma_start3A_5 = arith.constant 0 : i32
    %dma_start3A_6 = arith.constant 0 : i32
    %dma_start3A_7 = arith.constant 0 : i32
    %dma_start3A_8 = tpu.memref_slice %arg6[%dma_start3A_5, %dma_start3A_6, %dma_start3A_7] : memref<2x64x768xf32, #tpu.memory_space<vmem>> -> memref<1x64x768xf32, #tpu.memory_space<vmem>>
    %dma_start3A_9 = tpu.memref_squeeze %dma_start3A_8 : memref<1x64x768xf32, #tpu.memory_space<vmem>> -> memref<64x768xf32, #tpu.memory_space<vmem>>
    %dma_start3A_10 = arith.constant 0 : i32
    %dma_start3A_11 = tpu.memref_slice %arg5[%dma_start3A, %dma_start3A_10] : memref<4x64xi32, #tpu.memory_space<vmem>> -> memref<1x64xi32, #tpu.memory_space<vmem>>
    %dma_start3A_12 = tpu.memref_squeeze %dma_start3A_11 : memref<1x64xi32, #tpu.memory_space<vmem>> -> memref<64xi32, #tpu.memory_space<vmem>>
    %dma_start3A_13 = arith.constant 0 : i32
    %dma_start3A_14 = arith.constant 0 : i32
    %dma_start3A_15 = tpu.memref_slice %arg2[%dma_start3A_13, %dma_start3A_14] : memref<100000x768xf32, #tpu.memory_space<hbm>> -> memref<100000x768xf32, #tpu.memory_space<hbm>>
    tpu.enqueue_indirect_dma source(%dma_start3A_15 : memref<100000x768xf32, #tpu.memory_space<hbm>>) target(%dma_start3A_9 : memref<64x768xf32, #tpu.memory_space<vmem>>) offsets(%dma_start3A_12 : memref<64xi32, #tpu.memory_space<vmem>>) semaphore(%arg7 : memref<!tpu.dma_semaphore, #tpu.memory_space<semaphore_mem>>)
    %dma_wait3A = arith.constant 0 : i32
    %dma_wait3A_16 = arith.constant 0 : i32
    %dma_wait3A_17 = arith.constant 0 : i32
    %dma_wait3A_18 = arith.constant 0 : i32
    %dma_wait3A_19 = tpu.memref_slice %arg6[%dma_wait3A_16, %dma_wait3A_17, %dma_wait3A_18] : memref<2x64x768xf32, #tpu.memory_space<vmem>> -> memref<1x64x768xf32, #tpu.memory_space<vmem>>
    %dma_wait3A_20 = tpu.memref_squeeze %dma_wait3A_19 : memref<1x64x768xf32, #tpu.memory_space<vmem>> -> memref<64x768xf32, #tpu.memory_space<vmem>>
    %dma_wait3A_21 = arith.constant 0 : i32
    %dma_wait3A_22 = tpu.memref_slice %arg5[%dma_wait3A, %dma_wait3A_21] : memref<4x64xi32, #tpu.memory_space<vmem>> -> memref<1x64xi32, #tpu.memory_space<vmem>>
    %dma_wait3A_23 = tpu.memref_squeeze %dma_wait3A_22 : memref<1x64xi32, #tpu.memory_space<vmem>> -> memref<64xi32, #tpu.memory_space<vmem>>
    %dma_wait3A_24 = arith.constant 0 : i32
    %dma_wait3A_25 = arith.constant 0 : i32
    %dma_wait3A_26 = tpu.memref_slice %arg2[%dma_wait3A_24, %dma_wait3A_25] : memref<100000x768xf32, #tpu.memory_space<hbm>> -> memref<100000x768xf32, #tpu.memory_space<hbm>>
    tpu.wait_indirect_dma semaphore(%arg7 : memref<!tpu.dma_semaphore, #tpu.memory_space<semaphore_mem>>) src(%dma_wait3A_26 : memref<100000x768xf32, #tpu.memory_space<hbm>>) dst(%dma_wait3A_20 : memref<64x768xf32, #tpu.memory_space<vmem>>)
    %add3A_27 = arith.constant 0 : i32
    %add3A_28 = arith.addi %mul3A_4, %add3A_27 : i32
    %dma_start3A_29 = arith.constant 0 : i32
    %dma_start3A_30 = arith.constant 0 : i32
    %dma_start3A_31 = arith.constant 0 : i32
    %dma_start3A_32 = tpu.memref_slice %arg6[%dma_start3A_29, %dma_start3A_30, %dma_start3A_31] : memref<2x64x768xf32, #tpu.memory_space<vmem>> -> memref<1x64x768xf32, #tpu.memory_space<vmem>>
    %dma_start3A_33 = tpu.memref_squeeze %dma_start3A_32 : memref<1x64x768xf32, #tpu.memory_space<vmem>> -> memref<64x768xf32, #tpu.memory_space<vmem>>
    %dma_start3A_34 = arith.constant 0 : i32
    %dma_start3A_35 = tpu.memref_slice %arg4[%add3A_28, %dma_start3A_34] : memref<8192x768xf32, #tpu.memory_space<hbm>> -> memref<64x768xf32, #tpu.memory_space<hbm>>
    %dma_start3A_36 = arith.constant 0 : i32
    %dma_start3A_37 = tpu.memref_slice %arg4[%add3A_28, %dma_start3A_36] : memref<8192x768xf32, #tpu.memory_space<hbm>> -> memref<64x768xf32, #tpu.memory_space<hbm>>
    %dma_start3A_38 = arith.constant 0 : i32
    %dma_start3A_39 = arith.constant 0 : i32
    %dma_start3A_40 = tpu.memref_slice %arg6[%dma_start3A_29, %dma_start3A_38, %dma_start3A_39] : memref<2x64x768xf32, #tpu.memory_space<vmem>> -> memref<1x64x768xf32, #tpu.memory_space<vmem>>
    %dma_start3A_41 = tpu.memref_squeeze %dma_start3A_40 : memref<1x64x768xf32, #tpu.memory_space<vmem>> -> memref<64x768xf32, #tpu.memory_space<vmem>>
    tpu.enqueue_dma source(%dma_start3A_41 : memref<64x768xf32, #tpu.memory_space<vmem>>) target(%dma_start3A_37 : memref<64x768xf32, #tpu.memory_space<hbm>>) target_semaphore(%arg8 : memref<!tpu.dma_semaphore, #tpu.memory_space<semaphore_mem>>)
    %dma_start3A_42 = arith.constant 1 : i32
    %dma_start3A_43 = arith.constant 1 : i32
    %dma_start3A_44 = arith.constant 0 : i32
    %dma_start3A_45 = arith.constant 0 : i32
    %dma_start3A_46 = tpu.memref_slice %arg6[%dma_start3A_43, %dma_start3A_44, %dma_start3A_45] : memref<2x64x768xf32, #tpu.memory_space<vmem>> -> memref<1x64x768xf32, #tpu.memory_space<vmem>>
    %dma_start3A_47 = tpu.memref_squeeze %dma_start3A_46 : memref<1x64x768xf32, #tpu.memory_space<vmem>> -> memref<64x768xf32, #tpu.memory_space<vmem>>
    %dma_start3A_48 = arith.constant 0 : i32
    %dma_start3A_49 = tpu.memref_slice %arg5[%dma_start3A_42, %dma_start3A_48] : memref<4x64xi32, #tpu.memory_space<vmem>> -> memref<1x64xi32, #tpu.memory_space<vmem>>
    %dma_start3A_50 = tpu.memref_squeeze %dma_start3A_49 : memref<1x64xi32, #tpu.memory_space<vmem>> -> memref<64xi32, #tpu.memory_space<vmem>>
    %dma_start3A_51 = arith.constant 0 : i32
    %dma_start3A_52 = arith.constant 0 : i32
    %dma_start3A_53 = tpu.memref_slice %arg2[%dma_start3A_51, %dma_start3A_52] : memref<100000x768xf32, #tpu.memory_space<hbm>> -> memref<100000x768xf32, #tpu.memory_space<hbm>>
    tpu.enqueue_indirect_dma source(%dma_start3A_53 : memref<100000x768xf32, #tpu.memory_space<hbm>>) target(%dma_start3A_47 : memref<64x768xf32, #tpu.memory_space<vmem>>) offsets(%dma_start3A_50 : memref<64xi32, #tpu.memory_space<vmem>>) semaphore(%arg7 : memref<!tpu.dma_semaphore, #tpu.memory_space<semaphore_mem>>)
    %dma_wait3A_54 = arith.constant 1 : i32
    %dma_wait3A_55 = arith.constant 1 : i32
    %dma_wait3A_56 = arith.constant 0 : i32
    %dma_wait3A_57 = arith.constant 0 : i32
    %dma_wait3A_58 = tpu.memref_slice %arg6[%dma_wait3A_55, %dma_wait3A_56, %dma_wait3A_57] : memref<2x64x768xf32, #tpu.memory_space<vmem>> -> memref<1x64x768xf32, #tpu.memory_space<vmem>>
    %dma_wait3A_59 = tpu.memref_squeeze %dma_wait3A_58 : memref<1x64x768xf32, #tpu.memory_space<vmem>> -> memref<64x768xf32, #tpu.memory_space<vmem>>
    %dma_wait3A_60 = arith.constant 0 : i32
    %dma_wait3A_61 = tpu.memref_slice %arg5[%dma_wait3A_54, %dma_wait3A_60] : memref<4x64xi32, #tpu.memory_space<vmem>> -> memref<1x64xi32, #tpu.memory_space<vmem>>
    %dma_wait3A_62 = tpu.memref_squeeze %dma_wait3A_61 : memref<1x64xi32, #tpu.memory_space<vmem>> -> memref<64xi32, #tpu.memory_space<vmem>>
    %dma_wait3A_63 = arith.constant 0 : i32
    %dma_wait3A_64 = arith.constant 0 : i32
    %dma_wait3A_65 = tpu.memref_slice %arg2[%dma_wait3A_63, %dma_wait3A_64] : memref<100000x768xf32, #tpu.memory_space<hbm>> -> memref<100000x768xf32, #tpu.memory_space<hbm>>
    tpu.wait_indirect_dma semaphore(%arg7 : memref<!tpu.dma_semaphore, #tpu.memory_space<semaphore_mem>>) src(%dma_wait3A_65 : memref<100000x768xf32, #tpu.memory_space<hbm>>) dst(%dma_wait3A_59 : memref<64x768xf32, #tpu.memory_space<vmem>>)
    %add3A_66 = arith.constant 64 : i32
    %add3A_67 = arith.addi %mul3A_4, %add3A_66 : i32
    %dma_start3A_68 = arith.constant 1 : i32
    %dma_start3A_69 = arith.constant 0 : i32
    %dma_start3A_70 = arith.constant 0 : i32
    %dma_start3A_71 = tpu.memref_slice %arg6[%dma_start3A_68, %dma_start3A_69, %dma_start3A_70] : memref<2x64x768xf32, #tpu.memory_space<vmem>> -> memref<1x64x768xf32, #tpu.memory_space<vmem>>
    %dma_start3A_72 = tpu.memref_squeeze %dma_start3A_71 : memref<1x64x768xf32, #tpu.memory_space<vmem>> -> memref<64x768xf32, #tpu.memory_space<vmem>>
    %dma_start3A_73 = arith.constant 0 : i32
    %dma_start3A_74 = tpu.memref_slice %arg4[%add3A_67, %dma_start3A_73] : memref<8192x768xf32, #tpu.memory_space<hbm>> -> memref<64x768xf32, #tpu.memory_space<hbm>>
    %dma_start3A_75 = arith.constant 0 : i32
    %dma_start3A_76 = tpu.memref_slice %arg4[%add3A_67, %dma_start3A_75] : memref<8192x768xf32, #tpu.memory_space<hbm>> -> memref<64x768xf32, #tpu.memory_space<hbm>>
    %dma_start3A_77 = arith.constant 0 : i32
    %dma_start3A_78 = arith.constant 0 : i32
    %dma_start3A_79 = tpu.memref_slice %arg6[%dma_start3A_68, %dma_start3A_77, %dma_start3A_78] : memref<2x64x768xf32, #tpu.memory_space<vmem>> -> memref<1x64x768xf32, #tpu.memory_space<vmem>>
    %dma_start3A_80 = tpu.memref_squeeze %dma_start3A_79 : memref<1x64x768xf32, #tpu.memory_space<vmem>> -> memref<64x768xf32, #tpu.memory_space<vmem>>
    tpu.enqueue_dma source(%dma_start3A_80 : memref<64x768xf32, #tpu.memory_space<vmem>>) target(%dma_start3A_76 : memref<64x768xf32, #tpu.memory_space<hbm>>) target_semaphore(%arg8 : memref<!tpu.dma_semaphore, #tpu.memory_space<semaphore_mem>>)
    %dma_wait3A_81 = arith.constant 0 : i32
    %dma_wait3A_82 = arith.constant 0 : i32
    %dma_wait3A_83 = arith.constant 0 : i32
    %dma_wait3A_84 = tpu.memref_slice %arg6[%dma_wait3A_81, %dma_wait3A_82, %dma_wait3A_83] : memref<2x64x768xf32, #tpu.memory_space<vmem>> -> memref<1x64x768xf32, #tpu.memory_space<vmem>>
    %dma_wait3A_85 = tpu.memref_squeeze %dma_wait3A_84 : memref<1x64x768xf32, #tpu.memory_space<vmem>> -> memref<64x768xf32, #tpu.memory_space<vmem>>
    %dma_wait3A_86 = arith.constant 0 : i32
    %dma_wait3A_87 = tpu.memref_slice %arg4[%add3A_28, %dma_wait3A_86] : memref<8192x768xf32, #tpu.memory_space<hbm>> -> memref<64x768xf32, #tpu.memory_space<hbm>>
    %dma_wait3A_88 = arith.constant 0 : i32
    %dma_wait3A_89 = tpu.memref_slice %arg4[%add3A_28, %dma_wait3A_88] : memref<8192x768xf32, #tpu.memory_space<hbm>> -> memref<64x768xf32, #tpu.memory_space<hbm>>
    %dma_wait3A_90 = arith.constant 0 : i32
    %dma_wait3A_91 = arith.constant 0 : i32
    %dma_wait3A_92 = tpu.memref_slice %arg6[%dma_wait3A_81, %dma_wait3A_90, %dma_wait3A_91] : memref<2x64x768xf32, #tpu.memory_space<vmem>> -> memref<1x64x768xf32, #tpu.memory_space<vmem>>
    %dma_wait3A_93 = tpu.memref_squeeze %dma_wait3A_92 : memref<1x64x768xf32, #tpu.memory_space<vmem>> -> memref<64x768xf32, #tpu.memory_space<vmem>>
    tpu.wait_dma2 semaphore(%arg8 : memref<!tpu.dma_semaphore, #tpu.memory_space<semaphore_mem>>) src(%dma_wait3A_93 : memref<64x768xf32, #tpu.memory_space<vmem>>) dst(%dma_wait3A_89 : memref<64x768xf32, #tpu.memory_space<hbm>>)
    %dma_start3A_94 = arith.constant 2 : i32
    %dma_start3A_95 = arith.constant 0 : i32
    %dma_start3A_96 = arith.constant 0 : i32
    %dma_start3A_97 = arith.constant 0 : i32
    %dma_start3A_98 = tpu.memref_slice %arg6[%dma_start3A_95, %dma_start3A_96, %dma_start3A_97] : memref<2x64x768xf32, #tpu.memory_space<vmem>> -> memref<1x64x768xf32, #tpu.memory_space<vmem>>
    %dma_start3A_99 = tpu.memref_squeeze %dma_start3A_98 : memref<1x64x768xf32, #tpu.memory_space<vmem>> -> memref<64x768xf32, #tpu.memory_space<vmem>>
    %dma_start3A_100 = arith.constant 0 : i32
    %dma_start3A_101 = tpu.memref_slice %arg5[%dma_start3A_94, %dma_start3A_100] : memref<4x64xi32, #tpu.memory_space<vmem>> -> memref<1x64xi32, #tpu.memory_space<vmem>>
    %dma_start3A_102 = tpu.memref_squeeze %dma_start3A_101 : memref<1x64xi32, #tpu.memory_space<vmem>> -> memref<64xi32, #tpu.memory_space<vmem>>
    %dma_start3A_103 = arith.constant 0 : i32
    %dma_start3A_104 = arith.constant 0 : i32
    %dma_start3A_105 = tpu.memref_slice %arg2[%dma_start3A_103, %dma_start3A_104] : memref<100000x768xf32, #tpu.memory_space<hbm>> -> memref<100000x768xf32, #tpu.memory_space<hbm>>
    tpu.enqueue_indirect_dma source(%dma_start3A_105 : memref<100000x768xf32, #tpu.memory_space<hbm>>) target(%dma_start3A_99 : memref<64x768xf32, #tpu.memory_space<vmem>>) offsets(%dma_start3A_102 : memref<64xi32, #tpu.memory_space<vmem>>) semaphore(%arg7 : memref<!tpu.dma_semaphore, #tpu.memory_space<semaphore_mem>>)
    %dma_wait3A_106 = arith.constant 2 : i32
    %dma_wait3A_107 = arith.constant 0 : i32
    %dma_wait3A_108 = arith.constant 0 : i32
    %dma_wait3A_109 = arith.constant 0 : i32
    %dma_wait3A_110 = tpu.memref_slice %arg6[%dma_wait3A_107, %dma_wait3A_108, %dma_wait3A_109] : memref<2x64x768xf32, #tpu.memory_space<vmem>> -> memref<1x64x768xf32, #tpu.memory_space<vmem>>
    %dma_wait3A_111 = tpu.memref_squeeze %dma_wait3A_110 : memref<1x64x768xf32, #tpu.memory_space<vmem>> -> memref<64x768xf32, #tpu.memory_space<vmem>>
    %dma_wait3A_112 = arith.constant 0 : i32
    %dma_wait3A_113 = tpu.memref_slice %arg5[%dma_wait3A_106, %dma_wait3A_112] : memref<4x64xi32, #tpu.memory_space<vmem>> -> memref<1x64xi32, #tpu.memory_space<vmem>>
    %dma_wait3A_114 = tpu.memref_squeeze %dma_wait3A_113 : memref<1x64xi32, #tpu.memory_space<vmem>> -> memref<64xi32, #tpu.memory_space<vmem>>
    %dma_wait3A_115 = arith.constant 0 : i32
    %dma_wait3A_116 = arith.constant 0 : i32
    %dma_wait3A_117 = tpu.memref_slice %arg2[%dma_wait3A_115, %dma_wait3A_116] : memref<100000x768xf32, #tpu.memory_space<hbm>> -> memref<100000x768xf32, #tpu.memory_space<hbm>>
    tpu.wait_indirect_dma semaphore(%arg7 : memref<!tpu.dma_semaphore, #tpu.memory_space<semaphore_mem>>) src(%dma_wait3A_117 : memref<100000x768xf32, #tpu.memory_space<hbm>>) dst(%dma_wait3A_111 : memref<64x768xf32, #tpu.memory_space<vmem>>)
    %add3A_118 = arith.constant 128 : i32
    %add3A_119 = arith.addi %mul3A_4, %add3A_118 : i32
    %dma_start3A_120 = arith.constant 0 : i32
    %dma_start3A_121 = arith.constant 0 : i32
    %dma_start3A_122 = arith.constant 0 : i32
    %dma_start3A_123 = tpu.memref_slice %arg6[%dma_start3A_120, %dma_start3A_121, %dma_start3A_122] : memref<2x64x768xf32, #tpu.memory_space<vmem>> -> memref<1x64x768xf32, #tpu.memory_space<vmem>>
    %dma_start3A_124 = tpu.memref_squeeze %dma_start3A_123 : memref<1x64x768xf32, #tpu.memory_space<vmem>> -> memref<64x768xf32, #tpu.memory_space<vmem>>
    %dma_start3A_125 = arith.constant 0 : i32
    %dma_start3A_126 = tpu.memref_slice %arg4[%add3A_119, %dma_start3A_125] : memref<8192x768xf32, #tpu.memory_space<hbm>> -> memref<64x768xf32, #tpu.memory_space<hbm>>
    %dma_start3A_127 = arith.constant 0 : i32
    %dma_start3A_128 = tpu.memref_slice %arg4[%add3A_119, %dma_start3A_127] : memref<8192x768xf32, #tpu.memory_space<hbm>> -> memref<64x768xf32, #tpu.memory_space<hbm>>
    %dma_start3A_129 = arith.constant 0 : i32
    %dma_start3A_130 = arith.constant 0 : i32
    %dma_start3A_131 = tpu.memref_slice %arg6[%dma_start3A_120, %dma_start3A_129, %dma_start3A_130] : memref<2x64x768xf32, #tpu.memory_space<vmem>> -> memref<1x64x768xf32, #tpu.memory_space<vmem>>
    %dma_start3A_132 = tpu.memref_squeeze %dma_start3A_131 : memref<1x64x768xf32, #tpu.memory_space<vmem>> -> memref<64x768xf32, #tpu.memory_space<vmem>>
    tpu.enqueue_dma source(%dma_start3A_132 : memref<64x768xf32, #tpu.memory_space<vmem>>) target(%dma_start3A_128 : memref<64x768xf32, #tpu.memory_space<hbm>>) target_semaphore(%arg8 : memref<!tpu.dma_semaphore, #tpu.memory_space<semaphore_mem>>)
    %dma_wait3A_133 = arith.constant 1 : i32
    %dma_wait3A_134 = arith.constant 0 : i32
    %dma_wait3A_135 = arith.constant 0 : i32
    %dma_wait3A_136 = tpu.memref_slice %arg6[%dma_wait3A_133, %dma_wait3A_134, %dma_wait3A_135] : memref<2x64x768xf32, #tpu.memory_space<vmem>> -> memref<1x64x768xf32, #tpu.memory_space<vmem>>
    %dma_wait3A_137 = tpu.memref_squeeze %dma_wait3A_136 : memref<1x64x768xf32, #tpu.memory_space<vmem>> -> memref<64x768xf32, #tpu.memory_space<vmem>>
    %dma_wait3A_138 = arith.constant 0 : i32
    %dma_wait3A_139 = tpu.memref_slice %arg4[%add3A_67, %dma_wait3A_138] : memref<8192x768xf32, #tpu.memory_space<hbm>> -> memref<64x768xf32, #tpu.memory_space<hbm>>
    %dma_wait3A_140 = arith.constant 0 : i32
    %dma_wait3A_141 = tpu.memref_slice %arg4[%add3A_67, %dma_wait3A_140] : memref<8192x768xf32, #tpu.memory_space<hbm>> -> memref<64x768xf32, #tpu.memory_space<hbm>>
    %dma_wait3A_142 = arith.constant 0 : i32
    %dma_wait3A_143 = arith.constant 0 : i32
    %dma_wait3A_144 = tpu.memref_slice %arg6[%dma_wait3A_133, %dma_wait3A_142, %dma_wait3A_143] : memref<2x64x768xf32, #tpu.memory_space<vmem>> -> memref<1x64x768xf32, #tpu.memory_space<vmem>>
    %dma_wait3A_145 = tpu.memref_squeeze %dma_wait3A_144 : memref<1x64x768xf32, #tpu.memory_space<vmem>> -> memref<64x768xf32, #tpu.memory_space<vmem>>
    tpu.wait_dma2 semaphore(%arg8 : memref<!tpu.dma_semaphore, #tpu.memory_space<semaphore_mem>>) src(%dma_wait3A_145 : memref<64x768xf32, #tpu.memory_space<vmem>>) dst(%dma_wait3A_141 : memref<64x768xf32, #tpu.memory_space<hbm>>)
    %dma_start3A_146 = arith.constant 3 : i32
    %dma_start3A_147 = arith.constant 1 : i32
    %dma_start3A_148 = arith.constant 0 : i32
    %dma_start3A_149 = arith.constant 0 : i32
    %dma_start3A_150 = tpu.memref_slice %arg6[%dma_start3A_147, %dma_start3A_148, %dma_start3A_149] : memref<2x64x768xf32, #tpu.memory_space<vmem>> -> memref<1x64x768xf32, #tpu.memory_space<vmem>>
    %dma_start3A_151 = tpu.memref_squeeze %dma_start3A_150 : memref<1x64x768xf32, #tpu.memory_space<vmem>> -> memref<64x768xf32, #tpu.memory_space<vmem>>
    %dma_start3A_152 = arith.constant 0 : i32
    %dma_start3A_153 = tpu.memref_slice %arg5[%dma_start3A_146, %dma_start3A_152] : memref<4x64xi32, #tpu.memory_space<vmem>> -> memref<1x64xi32, #tpu.memory_space<vmem>>
    %dma_start3A_154 = tpu.memref_squeeze %dma_start3A_153 : memref<1x64xi32, #tpu.memory_space<vmem>> -> memref<64xi32, #tpu.memory_space<vmem>>
    %dma_start3A_155 = arith.constant 0 : i32
    %dma_start3A_156 = arith.constant 0 : i32
    %dma_start3A_157 = tpu.memref_slice %arg2[%dma_start3A_155, %dma_start3A_156] : memref<100000x768xf32, #tpu.memory_space<hbm>> -> memref<100000x768xf32, #tpu.memory_space<hbm>>
    tpu.enqueue_indirect_dma source(%dma_start3A_157 : memref<100000x768xf32, #tpu.memory_space<hbm>>) target(%dma_start3A_151 : memref<64x768xf32, #tpu.memory_space<vmem>>) offsets(%dma_start3A_154 : memref<64xi32, #tpu.memory_space<vmem>>) semaphore(%arg7 : memref<!tpu.dma_semaphore, #tpu.memory_space<semaphore_mem>>)
    %dma_wait3A_158 = arith.constant 3 : i32
    %dma_wait3A_159 = arith.constant 1 : i32
    %dma_wait3A_160 = arith.constant 0 : i32
    %dma_wait3A_161 = arith.constant 0 : i32
    %dma_wait3A_162 = tpu.memref_slice %arg6[%dma_wait3A_159, %dma_wait3A_160, %dma_wait3A_161] : memref<2x64x768xf32, #tpu.memory_space<vmem>> -> memref<1x64x768xf32, #tpu.memory_space<vmem>>
    %dma_wait3A_163 = tpu.memref_squeeze %dma_wait3A_162 : memref<1x64x768xf32, #tpu.memory_space<vmem>> -> memref<64x768xf32, #tpu.memory_space<vmem>>
    %dma_wait3A_164 = arith.constant 0 : i32
    %dma_wait3A_165 = tpu.memref_slice %arg5[%dma_wait3A_158, %dma_wait3A_164] : memref<4x64xi32, #tpu.memory_space<vmem>> -> memref<1x64xi32, #tpu.memory_space<vmem>>
    %dma_wait3A_166 = tpu.memref_squeeze %dma_wait3A_165 : memref<1x64xi32, #tpu.memory_space<vmem>> -> memref<64xi32, #tpu.memory_space<vmem>>
    %dma_wait3A_167 = arith.constant 0 : i32
    %dma_wait3A_168 = arith.constant 0 : i32
    %dma_wait3A_169 = tpu.memref_slice %arg2[%dma_wait3A_167, %dma_wait3A_168] : memref<100000x768xf32, #tpu.memory_space<hbm>> -> memref<100000x768xf32, #tpu.memory_space<hbm>>
    tpu.wait_indirect_dma semaphore(%arg7 : memref<!tpu.dma_semaphore, #tpu.memory_space<semaphore_mem>>) src(%dma_wait3A_169 : memref<100000x768xf32, #tpu.memory_space<hbm>>) dst(%dma_wait3A_163 : memref<64x768xf32, #tpu.memory_space<vmem>>)
    %add3A_170 = arith.constant 192 : i32
    %add3A_171 = arith.addi %mul3A_4, %add3A_170 : i32
    %dma_start3A_172 = arith.constant 1 : i32
    %dma_start3A_173 = arith.constant 0 : i32
    %dma_start3A_174 = arith.constant 0 : i32
    %dma_start3A_175 = tpu.memref_slice %arg6[%dma_start3A_172, %dma_start3A_173, %dma_start3A_174] : memref<2x64x768xf32, #tpu.memory_space<vmem>> -> memref<1x64x768xf32, #tpu.memory_space<vmem>>
    %dma_start3A_176 = tpu.memref_squeeze %dma_start3A_175 : memref<1x64x768xf32, #tpu.memory_space<vmem>> -> memref<64x768xf32, #tpu.memory_space<vmem>>
    %dma_start3A_177 = arith.constant 0 : i32
    %dma_start3A_178 = tpu.memref_slice %arg4[%add3A_171, %dma_start3A_177] : memref<8192x768xf32, #tpu.memory_space<hbm>> -> memref<64x768xf32, #tpu.memory_space<hbm>>
    %dma_start3A_179 = arith.constant 0 : i32
    %dma_start3A_180 = tpu.memref_slice %arg4[%add3A_171, %dma_start3A_179] : memref<8192x768xf32, #tpu.memory_space<hbm>> -> memref<64x768xf32, #tpu.memory_space<hbm>>
    %dma_start3A_181 = arith.constant 0 : i32
    %dma_start3A_182 = arith.constant 0 : i32
    %dma_start3A_183 = tpu.memref_slice %arg6[%dma_start3A_172, %dma_start3A_181, %dma_start3A_182] : memref<2x64x768xf32, #tpu.memory_space<vmem>> -> memref<1x64x768xf32, #tpu.memory_space<vmem>>
    %dma_start3A_184 = tpu.memref_squeeze %dma_start3A_183 : memref<1x64x768xf32, #tpu.memory_space<vmem>> -> memref<64x768xf32, #tpu.memory_space<vmem>>
    tpu.enqueue_dma source(%dma_start3A_184 : memref<64x768xf32, #tpu.memory_space<vmem>>) target(%dma_start3A_180 : memref<64x768xf32, #tpu.memory_space<hbm>>) target_semaphore(%arg8 : memref<!tpu.dma_semaphore, #tpu.memory_space<semaphore_mem>>)
    %dma_wait3A_185 = arith.constant 0 : i32
    %dma_wait3A_186 = arith.constant 0 : i32
    %dma_wait3A_187 = arith.constant 0 : i32
    %dma_wait3A_188 = tpu.memref_slice %arg6[%dma_wait3A_185, %dma_wait3A_186, %dma_wait3A_187] : memref<2x64x768xf32, #tpu.memory_space<vmem>> -> memref<1x64x768xf32, #tpu.memory_space<vmem>>
    %dma_wait3A_189 = tpu.memref_squeeze %dma_wait3A_188 : memref<1x64x768xf32, #tpu.memory_space<vmem>> -> memref<64x768xf32, #tpu.memory_space<vmem>>
    %dma_wait3A_190 = arith.constant 0 : i32
    %dma_wait3A_191 = tpu.memref_slice %arg4[%add3A_119, %dma_wait3A_190] : memref<8192x768xf32, #tpu.memory_space<hbm>> -> memref<64x768xf32, #tpu.memory_space<hbm>>
    %dma_wait3A_192 = arith.constant 0 : i32
    %dma_wait3A_193 = tpu.memref_slice %arg4[%add3A_119, %dma_wait3A_192] : memref<8192x768xf32, #tpu.memory_space<hbm>> -> memref<64x768xf32, #tpu.memory_space<hbm>>
    %dma_wait3A_194 = arith.constant 0 : i32
    %dma_wait3A_195 = arith.constant 0 : i32
    %dma_wait3A_196 = tpu.memref_slice %arg6[%dma_wait3A_185, %dma_wait3A_194, %dma_wait3A_195] : memref<2x64x768xf32, #tpu.memory_space<vmem>> -> memref<1x64x768xf32, #tpu.memory_space<vmem>>
    %dma_wait3A_197 = tpu.memref_squeeze %dma_wait3A_196 : memref<1x64x768xf32, #tpu.memory_space<vmem>> -> memref<64x768xf32, #tpu.memory_space<vmem>>
    tpu.wait_dma2 semaphore(%arg8 : memref<!tpu.dma_semaphore, #tpu.memory_space<semaphore_mem>>) src(%dma_wait3A_197 : memref<64x768xf32, #tpu.memory_space<vmem>>) dst(%dma_wait3A_193 : memref<64x768xf32, #tpu.memory_space<hbm>>)
    %dma_wait3A_198 = arith.constant 1 : i32
    %dma_wait3A_199 = arith.constant 0 : i32
    %dma_wait3A_200 = arith.constant 0 : i32
    %dma_wait3A_201 = tpu.memref_slice %arg6[%dma_wait3A_198, %dma_wait3A_199, %dma_wait3A_200] : memref<2x64x768xf32, #tpu.memory_space<vmem>> -> memref<1x64x768xf32, #tpu.memory_space<vmem>>
    %dma_wait3A_202 = tpu.memref_squeeze %dma_wait3A_201 : memref<1x64x768xf32, #tpu.memory_space<vmem>> -> memref<64x768xf32, #tpu.memory_space<vmem>>
    %dma_wait3A_203 = arith.constant 0 : i32
    %dma_wait3A_204 = tpu.memref_slice %arg4[%add3A_171, %dma_wait3A_203] : memref<8192x768xf32, #tpu.memory_space<hbm>> -> memref<64x768xf32, #tpu.memory_space<hbm>>
    %dma_wait3A_205 = arith.constant 0 : i32
    %dma_wait3A_206 = tpu.memref_slice %arg4[%add3A_171, %dma_wait3A_205] : memref<8192x768xf32, #tpu.memory_space<hbm>> -> memref<64x768xf32, #tpu.memory_space<hbm>>
    %dma_wait3A_207 = arith.constant 0 : i32
    %dma_wait3A_208 = arith.constant 0 : i32
    %dma_wait3A_209 = tpu.memref_slice %arg6[%dma_wait3A_198, %dma_wait3A_207, %dma_wait3A_208] : memref<2x64x768xf32, #tpu.memory_space<vmem>> -> memref<1x64x768xf32, #tpu.memory_space<vmem>>
    %dma_wait3A_210 = tpu.memref_squeeze %dma_wait3A_209 : memref<1x64x768xf32, #tpu.memory_space<vmem>> -> memref<64x768xf32, #tpu.memory_space<vmem>>
    tpu.wait_dma2 semaphore(%arg8 : memref<!tpu.dma_semaphore, #tpu.memory_space<semaphore_mem>>) src(%dma_wait3A_210 : memref<64x768xf32, #tpu.memory_space<vmem>>) dst(%dma_wait3A_206 : memref<64x768xf32, #tpu.memory_space<hbm>>)
    return
  }
}

module attributes {stable_mosaic.version = 14 : i64} {
  func.func @_ln_slab_body(%arg0: i32, %arg1: i32, %arg2: memref<4x4096x768xf32, #tpu.memory_space<any>>, %arg3: memref<1x2048x768xf32, #tpu.memory_space<vmem>>, %arg4: memref<2048x768xf32, #tpu.memory_space<vmem>>, %arg5: memref<1x768xf32, #tpu.memory_space<vmem>>, %arg6: memref<1x768xf32, #tpu.memory_space<vmem>>, %arg7: memref<1x768xf32, #tpu.memory_space<vmem>>, %arg8: memref<1x2048x768xf32, #tpu.memory_space<vmem>>) attributes {dimension_semantics = [#tpu.dimension_semantics<arbitrary>, #tpu.dimension_semantics<arbitrary>], iteration_bounds = array<i64: 1, 4>, scalar_prefetch = 0 : i64, scratch_operands = 0 : i64, tpu.core_type = #tpu.core_type<tc>, window_params = [{}, {transform_indices = @transform_1, window_bounds = array<i64: 1, 2048, 768>}, {transform_indices = @transform_2, window_bounds = array<i64: 2048, 768>}, {pipeline_mode = #tpu.pipeline_mode<synchronous>, transform_indices = @transform_3, window_bounds = array<i64: 1, 768>}, {pipeline_mode = #tpu.pipeline_mode<synchronous>, transform_indices = @transform_4, window_bounds = array<i64: 1, 768>}, {pipeline_mode = #tpu.pipeline_mode<synchronous>, transform_indices = @transform_5, window_bounds = array<i64: 1, 768>}, {transform_indices = @transform_6, window_bounds = array<i64: 1, 2048, 768>}]} {
    %get3A = arith.constant 0 : index
    %get3A_0 = arith.constant 0 : index
    %get3A_1 = arith.constant 0 : index
    %get3A_2 = vector.load %arg3[%get3A, %get3A_0, %get3A_1] : memref<1x2048x768xf32, #tpu.memory_space<vmem>>, vector<1x2048x768xf32>
    %get3A_3 = vector.shape_cast %get3A_2 : vector<1x2048x768xf32> to vector<2048x768xf32>
    %get3A_4 = arith.constant 0 : index
    %get3A_5 = arith.constant 0 : index
    %get3A_6 = vector.load %arg4[%get3A_4, %get3A_5] : memref<2048x768xf32, #tpu.memory_space<vmem>>, vector<2048x768xf32>
    %get3A_7 = arith.constant 0 : index
    %get3A_8 = arith.constant 0 : index
    %get3A_9 = vector.load %arg5[%get3A_7, %get3A_8] : memref<1x768xf32, #tpu.memory_space<vmem>>, vector<1x768xf32>
    %add3A = vector.broadcast %get3A_9 : vector<1x768xf32> to vector<2048x768xf32>
    %add3A_10 = arith.addf %get3A_6, %add3A : vector<2048x768xf32>
    %add3A_11 = arith.addf %get3A_3, %add3A_10 : vector<2048x768xf32>
    %reduce_sum3A = arith.constant dense<0.000000e+00> : vector<2048xf32>
    %reduce_sum3A_12 = vector.multi_reduction <add>, %add3A_11, %reduce_sum3A [1] : vector<2048x768xf32> to vector<2048xf32>
    %broadcast_in_dim3A = vector.shape_cast %reduce_sum3A_12 : vector<2048xf32> to vector<2048x1xf32>
    %div3A = arith.constant 7.680000e+02 : f32
    %div3A_13 = vector.broadcast %div3A : f32 to vector<2048x1xf32>
    %div3A_14 = arith.divf %broadcast_in_dim3A, %div3A_13 : vector<2048x1xf32>
    %mul3A = arith.mulf %add3A_11, %add3A_11 : vector<2048x768xf32>
    %reduce_sum3A_15 = arith.constant dense<0.000000e+00> : vector<2048xf32>
    %reduce_sum3A_16 = vector.multi_reduction <add>, %mul3A, %reduce_sum3A_15 [1] : vector<2048x768xf32> to vector<2048xf32>
    %broadcast_in_dim3A_17 = vector.shape_cast %reduce_sum3A_16 : vector<2048xf32> to vector<2048x1xf32>
    %div3A_18 = arith.constant 7.680000e+02 : f32
    %div3A_19 = vector.broadcast %div3A_18 : f32 to vector<2048x1xf32>
    %div3A_20 = arith.divf %broadcast_in_dim3A_17, %div3A_19 : vector<2048x1xf32>
    %mul3A_21 = arith.mulf %div3A_14, %div3A_14 : vector<2048x1xf32>
    %sub3A = arith.subf %div3A_20, %mul3A_21 : vector<2048x1xf32>
    %add3A_22 = arith.constant 9.99999996E-13 : f32
    %add3A_23 = vector.broadcast %add3A_22 : f32 to vector<2048x1xf32>
    %add3A_24 = arith.addf %sub3A, %add3A_23 : vector<2048x1xf32>
    %rsqrt3A = math.rsqrt %add3A_24 : vector<2048x1xf32>
    %sub3A_25 = vector.broadcast %div3A_14 : vector<2048x1xf32> to vector<2048x768xf32>
    %sub3A_26 = arith.subf %add3A_11, %sub3A_25 : vector<2048x768xf32>
    %get3A_27 = arith.constant 0 : index
    %get3A_28 = arith.constant 0 : index
    %get3A_29 = vector.load %arg6[%get3A_27, %get3A_28] : memref<1x768xf32, #tpu.memory_space<vmem>>, vector<1x768xf32>
    %mul3A_30 = vector.broadcast %rsqrt3A : vector<2048x1xf32> to vector<2048x768xf32>
    %mul3A_31 = vector.broadcast %get3A_29 : vector<1x768xf32> to vector<2048x768xf32>
    %mul3A_32 = arith.mulf %mul3A_30, %mul3A_31 : vector<2048x768xf32>
    %mul3A_33 = arith.mulf %sub3A_26, %mul3A_32 : vector<2048x768xf32>
    %get3A_34 = arith.constant 0 : index
    %get3A_35 = arith.constant 0 : index
    %get3A_36 = vector.load %arg7[%get3A_34, %get3A_35] : memref<1x768xf32, #tpu.memory_space<vmem>>, vector<1x768xf32>
    %add3A_37 = vector.broadcast %get3A_36 : vector<1x768xf32> to vector<2048x768xf32>
    %add3A_38 = arith.addf %mul3A_33, %add3A_37 : vector<2048x768xf32>
    %swap3A = arith.constant 0 : index
    %swap3A_39 = arith.constant 0 : index
    %swap3A_40 = arith.constant 0 : index
    %swap3A_41 = vector.load %arg8[%swap3A, %swap3A_39, %swap3A_40] : memref<1x2048x768xf32, #tpu.memory_space<vmem>>, vector<1x2048x768xf32>
    %swap3A_42 = vector.shape_cast %swap3A_41 : vector<1x2048x768xf32> to vector<2048x768xf32>
    %swap3A_43 = vector.shape_cast %add3A_38 : vector<2048x768xf32> to vector<1x2048x768xf32>
    tpu.vector_store %arg8[%swap3A, %swap3A_39, %swap3A_40], %swap3A_43 {strides = array<i32>} : memref<1x2048x768xf32, #tpu.memory_space<vmem>>, vector<1x2048x768xf32>,
    return
  }
  func.func @transform_1(%arg0: i32, %arg1: i32) -> (i32, i32, i32) {
    %c0_i32 = arith.constant 0 : i32
    %c0_i32_0 = arith.constant 0 : i32
    return %arg1, %arg0, %c0_i32 : i32, i32, i32
  }
  func.func @transform_2(%arg0: i32, %arg1: i32) -> (i32, i32) {
    %add3A = arith.constant 1 : i32
    %add3A_0 = arith.addi %add3A, %arg0 : i32
    %c0_i32 = arith.constant 0 : i32
    %c0_i32_1 = arith.constant 0 : i32
    return %add3A_0, %c0_i32 : i32, i32
  }
  func.func @transform_3(%arg0: i32, %arg1: i32) -> (i32, i32) {
    %c0_i32 = arith.constant 0 : i32
    %c0_i32_0 = arith.constant 0 : i32
    %c0_i32_1 = arith.constant 0 : i32
    return %c0_i32, %c0_i32_0 : i32, i32
  }
  func.func @transform_4(%arg0: i32, %arg1: i32) -> (i32, i32) {
    %c0_i32 = arith.constant 0 : i32
    %c0_i32_0 = arith.constant 0 : i32
    %c0_i32_1 = arith.constant 0 : i32
    return %c0_i32, %c0_i32_0 : i32, i32
  }
  func.func @transform_5(%arg0: i32, %arg1: i32) -> (i32, i32) {
    %c0_i32 = arith.constant 0 : i32
    %c0_i32_0 = arith.constant 0 : i32
    %c0_i32_1 = arith.constant 0 : i32
    return %c0_i32, %c0_i32_0 : i32, i32
  }
  func.func @transform_6(%arg0: i32, %arg1: i32) -> (i32, i32, i32) {
    %add3A = arith.constant 1 : i32
    %add3A_0 = arith.addi %add3A, %arg0 : i32
    %c0_i32 = arith.constant 0 : i32
    %c0_i32_1 = arith.constant 0 : i32
    return %arg1, %add3A_0, %c0_i32 : i32, i32, i32
  }
}

module attributes {stable_mosaic.version = 14 : i64} {
  func.func @_ln_body(%arg0: i32, %arg1: i32, %arg2: memref<1x2048x768xf32, #tpu.memory_space<vmem>>, %arg3: memref<2048x768xf32, #tpu.memory_space<vmem>>, %arg4: memref<1x768xf32, #tpu.memory_space<vmem>>, %arg5: memref<1x768xf32, #tpu.memory_space<vmem>>, %arg6: memref<1x768xf32, #tpu.memory_space<vmem>>, %arg7: memref<1x2048x768xf32, #tpu.memory_space<vmem>>) attributes {dimension_semantics = [#tpu.dimension_semantics<arbitrary>, #tpu.dimension_semantics<arbitrary>], iteration_bounds = array<i64: 1, 4>, scalar_prefetch = 0 : i64, scratch_operands = 0 : i64, tpu.core_type = #tpu.core_type<tc>, window_params = [{transform_indices = @transform_0, window_bounds = array<i64: 1, 2048, 768>}, {transform_indices = @transform_1, window_bounds = array<i64: 2048, 768>}, {pipeline_mode = #tpu.pipeline_mode<synchronous>, transform_indices = @transform_2, window_bounds = array<i64: 1, 768>}, {pipeline_mode = #tpu.pipeline_mode<synchronous>, transform_indices = @transform_3, window_bounds = array<i64: 1, 768>}, {pipeline_mode = #tpu.pipeline_mode<synchronous>, transform_indices = @transform_4, window_bounds = array<i64: 1, 768>}, {transform_indices = @transform_5, window_bounds = array<i64: 1, 2048, 768>}]} {
    %get3A = arith.constant 0 : index
    %get3A_0 = arith.constant 0 : index
    %get3A_1 = arith.constant 0 : index
    %get3A_2 = vector.load %arg2[%get3A, %get3A_0, %get3A_1] : memref<1x2048x768xf32, #tpu.memory_space<vmem>>, vector<1x2048x768xf32>
    %get3A_3 = vector.shape_cast %get3A_2 : vector<1x2048x768xf32> to vector<2048x768xf32>
    %get3A_4 = arith.constant 0 : index
    %get3A_5 = arith.constant 0 : index
    %get3A_6 = vector.load %arg3[%get3A_4, %get3A_5] : memref<2048x768xf32, #tpu.memory_space<vmem>>, vector<2048x768xf32>
    %get3A_7 = arith.constant 0 : index
    %get3A_8 = arith.constant 0 : index
    %get3A_9 = vector.load %arg4[%get3A_7, %get3A_8] : memref<1x768xf32, #tpu.memory_space<vmem>>, vector<1x768xf32>
    %add3A = vector.broadcast %get3A_9 : vector<1x768xf32> to vector<2048x768xf32>
    %add3A_10 = arith.addf %get3A_6, %add3A : vector<2048x768xf32>
    %add3A_11 = arith.addf %get3A_3, %add3A_10 : vector<2048x768xf32>
    %reduce_sum3A = arith.constant dense<0.000000e+00> : vector<2048xf32>
    %reduce_sum3A_12 = vector.multi_reduction <add>, %add3A_11, %reduce_sum3A [1] : vector<2048x768xf32> to vector<2048xf32>
    %broadcast_in_dim3A = vector.shape_cast %reduce_sum3A_12 : vector<2048xf32> to vector<2048x1xf32>
    %div3A = arith.constant 7.680000e+02 : f32
    %div3A_13 = vector.broadcast %div3A : f32 to vector<2048x1xf32>
    %div3A_14 = arith.divf %broadcast_in_dim3A, %div3A_13 : vector<2048x1xf32>
    %mul3A = arith.mulf %add3A_11, %add3A_11 : vector<2048x768xf32>
    %reduce_sum3A_15 = arith.constant dense<0.000000e+00> : vector<2048xf32>
    %reduce_sum3A_16 = vector.multi_reduction <add>, %mul3A, %reduce_sum3A_15 [1] : vector<2048x768xf32> to vector<2048xf32>
    %broadcast_in_dim3A_17 = vector.shape_cast %reduce_sum3A_16 : vector<2048xf32> to vector<2048x1xf32>
    %div3A_18 = arith.constant 7.680000e+02 : f32
    %div3A_19 = vector.broadcast %div3A_18 : f32 to vector<2048x1xf32>
    %div3A_20 = arith.divf %broadcast_in_dim3A_17, %div3A_19 : vector<2048x1xf32>
    %mul3A_21 = arith.mulf %div3A_14, %div3A_14 : vector<2048x1xf32>
    %sub3A = arith.subf %div3A_20, %mul3A_21 : vector<2048x1xf32>
    %add3A_22 = arith.constant 9.99999996E-13 : f32
    %add3A_23 = vector.broadcast %add3A_22 : f32 to vector<2048x1xf32>
    %add3A_24 = arith.addf %sub3A, %add3A_23 : vector<2048x1xf32>
    %rsqrt3A = math.rsqrt %add3A_24 : vector<2048x1xf32>
    %sub3A_25 = vector.broadcast %div3A_14 : vector<2048x1xf32> to vector<2048x768xf32>
    %sub3A_26 = arith.subf %add3A_11, %sub3A_25 : vector<2048x768xf32>
    %get3A_27 = arith.constant 0 : index
    %get3A_28 = arith.constant 0 : index
    %get3A_29 = vector.load %arg5[%get3A_27, %get3A_28] : memref<1x768xf32, #tpu.memory_space<vmem>>, vector<1x768xf32>
    %mul3A_30 = vector.broadcast %rsqrt3A : vector<2048x1xf32> to vector<2048x768xf32>
    %mul3A_31 = vector.broadcast %get3A_29 : vector<1x768xf32> to vector<2048x768xf32>
    %mul3A_32 = arith.mulf %mul3A_30, %mul3A_31 : vector<2048x768xf32>
    %mul3A_33 = arith.mulf %sub3A_26, %mul3A_32 : vector<2048x768xf32>
    %get3A_34 = arith.constant 0 : index
    %get3A_35 = arith.constant 0 : index
    %get3A_36 = vector.load %arg6[%get3A_34, %get3A_35] : memref<1x768xf32, #tpu.memory_space<vmem>>, vector<1x768xf32>
    %add3A_37 = vector.broadcast %get3A_36 : vector<1x768xf32> to vector<2048x768xf32>
    %add3A_38 = arith.addf %mul3A_33, %add3A_37 : vector<2048x768xf32>
    %swap3A = arith.constant 0 : index
    %swap3A_39 = arith.constant 0 : index
    %swap3A_40 = arith.constant 0 : index
    %swap3A_41 = vector.load %arg7[%swap3A, %swap3A_39, %swap3A_40] : memref<1x2048x768xf32, #tpu.memory_space<vmem>>, vector<1x2048x768xf32>
    %swap3A_42 = vector.shape_cast %swap3A_41 : vector<1x2048x768xf32> to vector<2048x768xf32>
    %swap3A_43 = vector.shape_cast %add3A_38 : vector<2048x768xf32> to vector<1x2048x768xf32>
    tpu.vector_store %arg7[%swap3A, %swap3A_39, %swap3A_40], %swap3A_43 {strides = array<i32>} : memref<1x2048x768xf32, #tpu.memory_space<vmem>>, vector<1x2048x768xf32>,
    return
  }
  func.func @transform_0(%arg0: i32, %arg1: i32) -> (i32, i32, i32) {
    %c0_i32 = arith.constant 0 : i32
    %c0_i32_0 = arith.constant 0 : i32
    return %arg1, %arg0, %c0_i32 : i32, i32, i32
  }
  func.func @transform_1(%arg0: i32, %arg1: i32) -> (i32, i32) {
    %add3A = arith.constant 0 : i32
    %add3A_0 = arith.addi %add3A, %arg0 : i32
    %c0_i32 = arith.constant 0 : i32
    %c0_i32_1 = arith.constant 0 : i32
    return %add3A_0, %c0_i32 : i32, i32
  }
  func.func @transform_2(%arg0: i32, %arg1: i32) -> (i32, i32) {
    %c0_i32 = arith.constant 0 : i32
    %c0_i32_0 = arith.constant 0 : i32
    %c0_i32_1 = arith.constant 0 : i32
    return %c0_i32, %c0_i32_0 : i32, i32
  }
  func.func @transform_3(%arg0: i32, %arg1: i32) -> (i32, i32) {
    %c0_i32 = arith.constant 0 : i32
    %c0_i32_0 = arith.constant 0 : i32
    %c0_i32_1 = arith.constant 0 : i32
    return %c0_i32, %c0_i32_0 : i32, i32
  }
  func.func @transform_4(%arg0: i32, %arg1: i32) -> (i32, i32) {
    %c0_i32 = arith.constant 0 : i32
    %c0_i32_0 = arith.constant 0 : i32
    %c0_i32_1 = arith.constant 0 : i32
    return %c0_i32, %c0_i32_0 : i32, i32
  }
  func.func @transform_5(%arg0: i32, %arg1: i32) -> (i32, i32, i32) {
    %add3A = arith.constant 0 : i32
    %add3A_0 = arith.addi %add3A, %arg0 : i32
    %c0_i32 = arith.constant 0 : i32
    %c0_i32_1 = arith.constant 0 : i32
    return %arg1, %add3A_0, %c0_i32 : i32, i32, i32
  }
}

</mosaic_0001>

<sc_bundles>
// kernel: kernel.6.cloned.1.call-start
scs
__scs_entry_jumppad:
0x0: {  	(pc) =	sbr.rel $0x88, $3  }
0x1: {  	(tag) =	ssettag $0x0;
	lr =	simm.s32 $0x1  }
0x2: {  	[smem:$0x3F9B] =	sst lr;
	_ =	strace $0xD0000000  }
0x3: {  	_ = 	snop  }
0x4: {  	_ = 	snop  }
0x5: {  	_ = 	snop  }
0x6: {  	_ = 	snop  }
0x7: {  	_ = 	snop  }
__scs_overlays_trampoline_lowered:
0x8: {  	[smem:$0x3FAA] =	sst s0  }
0x9: {  	[smem:$0x3FAB] =	sst s1  }
0xa: {  	[smem:$0x3FAC] =	sst s2  }
0xb: {  	[smem:$0x3FAD] =	sst s3  }
0xc: {  	[smem:$0x3FAE] =	sst s4  }
0xd: {  	[smem:$0x3FAF] =	sst s5  }
0xe: {  	[smem:$0x3FB0] =	sst s6  }
0xf: {  	[smem:$0x3FB1] =	sst s7  }
0x10: {  	[smem:$0x3FB2] =	sst s8  }
0x11: {  	[smem:$0x3FB3] =	sst s9;
	s0 =	simm.s32 @!p0 $0x0  }
0x12: {  	s1 =	sld [smem:$0x3F99];
	s0 =	simm.s32 @p0 $0x1  }
0x13: {  	[smem:$0x3FB4] =	sst s0;
	s0 =	simm.s32 @!p1 $0x0  }
0x14: {  	s2 =	sld [smem:$0x3F98];
	s0 =	simm.s32 @p1 $0x1  }
0x15: {  	[smem:$0x3FB5] =	sst s0;
	s0 =	simm.s32 @!p2 $0x0  }
0x16: {  	s3 =	sld [smem:$0x3FDB];
	s0 =	simm.s32 @p2 $0x1  }
0x17: {  	s4 =	simm.s32 $0x1BF5;
	[smem:$0x3FB7] =	sst s0  }
0x18: {  	s0 =	sld [smem:$0x3F9A];
	_ =	swait.ge [sflag:s4], $0x0  }
0x19: {  	s7 =	sld [smem:$0x3F9B]  }
0x1a: {  	s8 =	sadd.s32 $0xFFFFE003, lr  }
0x1b: {  	s9 =	sadd.s32 $0xFFFFFEF7, lr;
	s5 =	simm.s32 $0xFFFFFFFF;
	p2 =	slt.u32 s8, $0xFFFFF086  }
0x1c: {  	p1 =	slt.u32 s9, $0xF7A;
	s5 =	simm.s32 @!p2 $0x0  }
0x1d: {  	s5 =	simm.s32 @p1 $0x1;
	p0 =	seq.s32 s7, s2  }
0x1e: {  	s7 =	smul.u32 @!p0 $0xF7A, s2;
	p2 =	seq.s32 @!p0 s5, $0x0  }
0x1f: {  	s9 =	smul.u32 $0xF7A, s1;
	s8 =	simm.s32 @!p0 $0x1BF5;
	p2 =	por !p2, p0  }
0x20: {  	[sflag:s8] =	ssyncset.s32 @!p0 $0xFFFFF086;
	s6 =	sadd.s32 @!p0 s3, s7;
	s7 =	simm.s32 @!p0 $0x108  }
0x21: {  	s3 =	sadd.s32 s3, s9;
	s6 =	sadd.s32 @!p0 $0x88, s6;
	s7 =	simm.s32 @p2 $0x1082  }
0x22: {  	[simem:s7], [sflag:s8] =	dma.local @!p0 [hbm:s6], $0xF7A  }
0x23: {  	s9 =	sor.u32 $0xD0000000, s2;
	s6 =	simm.s32 $0x108;
	_ =	swait.ge @!p0 [sflag:s8], $0x0  }
0x24: {  	s3 =	sadd.s32 $0x88, s3;
	s6 =	simm.s32 @!p1 $0x1082;
	[sflag:s4] =	ssyncset.s32 $0xFFFFF086  }
0x25: {  	[simem:s6], [sflag:s4] =	dma.local [hbm:s3], $0xF7A  }
0x26: {  	[smem:$0x3F9B] =	sst s1;
	(tag) =	ssettag s2;
	_ =	strace s9  }
0x27: {  	s1 =	sld [smem:$0x3FAB]  }
0x28: {  	s2 =	sld [smem:$0x3FAC]  }
0x29: {  	s4 =	sld [smem:$0x3FAE]  }
0x2a: {  	p0 =	seq.s32 s5, $0x0;
	s5 =	sld [smem:$0x3FAF]  }
0x2b: {  	s6 =	sld [smem:$0x3FB0]  }
0x2c: {  	s7 =	sld [smem:$0x3FB1]  }
0x2d: {  	s3 =	simm.s32 $0x108;
	s8 =	sld [smem:$0x3FB2]  }
0x2e: {  	s3 =	simm.s32 @!p0 $0x1082;
	s9 =	sld [smem:$0x3FB3]  }
0x2f: {  	lr =	sadd.s32 s0, s3;
	s0 =	sld [smem:$0x3FAA]  }
0x30: {  	s3 =	sld [smem:$0x3FAD]  }
0x31: {  	[smem:$0x3FB6] =	sst s10  }
0x32: {  	s10 =	sld [smem:$0x3FB4];
	_ =	sdelay $0x3  }
0x33: {  	p0 =	seq.s32 s10, $0x1;
	s10 =	sld [smem:$0x3FB6];
	_ =	sdelay $0x3  }
0x34: {  	[smem:$0x3FB6] =	sst s10  }
0x35: {  	s10 =	sld [smem:$0x3FB5];
	_ =	sdelay $0x3  }
0x36: {  	p1 =	seq.s32 s10, $0x1;
	s10 =	sld [smem:$0x3FB6];
	_ =	sdelay $0x3  }
0x37: {  	[smem:$0x3FB6] =	sst s10  }
0x38: {  	s10 =	sld [smem:$0x3FB7]  }
0x39: {  	_ = 	snop;
	(pc) =	sbr.ind lr, $3  }
0x3a: {  	_ = 	snop  }
0x3b: {  	_ = 	snop  }
0x3c: {  	p2 =	seq.s32 s10, $0x1;
	s10 =	sld [smem:$0x3FB6]  }
0x3d: {  	_ =	shalt  }
0x3e: {  	_ =	shalt  }
0x3f: {  	_ =	shalt  }
0x40: {  	_ =	shalt  }
0x41: {  	_ =	shalt  }
0x42: {  	_ =	shalt  }
0x43: {  	_ =	shalt  }
0x44: {  	_ =	shalt  }
0x45: {  	_ =	shalt  }
0x46: {  	_ =	shalt  }
0x47: {  	_ =	shalt  }
0x48: {  	_ =	shalt  }
0x49: {  	_ =	shalt  }
0x4a: {  	_ =	shalt  }
0x4b: {  	_ =	shalt  }
0x4c: {  	_ =	shalt  }
0x4d: {  	_ =	shalt  }
0x4e: {  	_ =	shalt  }
0x4f: {  	_ =	shalt  }
0x50: {  	_ =	shalt  }
0x51: {  	_ =	shalt  }
0x52: {  	_ =	shalt  }
0x53: {  	_ =	shalt  }
0x54: {  	_ =	shalt  }
0x55: {  	_ =	shalt  }
0x56: {  	_ =	shalt  }
0x57: {  	_ =	shalt  }
0x58: {  	_ =	shalt  }
0x59: {  	_ =	shalt  }
0x5a: {  	_ =	shalt  }
0x5b: {  	_ =	shalt  }
0x5c: {  	_ =	shalt  }
0x5d: {  	_ =	shalt  }
0x5e: {  	_ =	shalt  }
0x5f: {  	_ =	shalt  }
0x60: {  	_ =	shalt  }
0x61: {  	_ =	shalt  }
0x62: {  	_ =	shalt  }
0x63: {  	_ =	shalt  }
0x64: {  	_ =	shalt  }
0x65: {  	_ =	shalt  }
0x66: {  	_ =	shalt  }
0x67: {  	_ =	shalt  }
0x68: {  	_ =	shalt  }
0x69: {  	_ =	shalt  }
0x6a: {  	_ =	shalt  }
0x6b: {  	_ =	shalt  }
0x6c: {  	_ =	shalt  }
0x6d: {  	_ =	shalt  }
0x6e: {  	_ =	shalt  }
0x6f: {  	_ =	shalt  }
0x70: {  	_ =	shalt  }
0x71: {  	_ =	shalt  }
0x72: {  	_ =	shalt  }
0x73: {  	_ =	shalt  }
0x74: {  	_ =	shalt  }
0x75: {  	_ =	shalt  }
0x76: {  	_ =	shalt  }
0x77: {  	_ =	shalt  }
0x78: {  	_ =	shalt  }
0x79: {  	_ =	shalt  }
0x7a: {  	_ =	shalt  }
0x7b: {  	_ =	shalt  }
0x7c: {  	_ =	shalt  }
0x7d: {  	_ =	shalt  }
0x7e: {  	_ =	shalt  }
0x7f: {  	_ =	shalt  }
0x80: {  	_ =	shalt  }
0x81: {  	_ =	shalt  }
0x82: {  	_ =	shalt  }
0x83: {  	_ =	shalt  }
0x84: {  	_ =	shalt  }
0x85: {  	_ =	shalt  }
0x86: {  	_ =	shalt  }
0x87: {  	_ =	shalt  }
.Lfunc_end0:
.L_simem_size_0:
called_computation_lowered:
.L_overlay_start_0:
0x88: {  	s2 =	sld [smem:$0x3FD9]  }
0x89: {  	s3 =	sld [smem:$0x3FFE];
	_ =	sdelay $0x1  }
0x8a: {  	s1 =	srdreg.scid  }
0x8b: {  	s0 =	sand.u32 $0x1, s1  }
0x8c: {  	s17 =	sshll.u32 s0, $0xA;
	s2 =	sadd.s32 s3, s2  }
0x8d: {  	s2 =	sadd.s32 s2, s17  }
0x8e: {  	[smem:$0x3FC2] =	sst s2  }
0x8f: {  	_ = 	snop  }
0x90: {  	s2 =	sld [smem:$0x3FC8]  }
0x91: {  	s18 =	sld [smem:$0x3FD0];
	(tm) =	ssettm $0x1  }
0x92: {  	s4 =	sld [smem:$0x3FFB];
	_ =	sdelay $0x3  }
0x93: {  	_ =	strace s4  }
0x94: {  	s4 =	sld [smem:$0x3FFC];
	_ =	sdelay $0x3  }
0x95: {  	_ =	strace s4  }
0x96: {  	s4 =	sld [smem:$0x3FFD];
	_ =	sdelay $0x3  }
0x97: {  	_ =	strace s4  }
0x98: {  	_ =	strace $0x8FFFFFFF  }
0x99: {  	s19 =	sld [smem:$0x3FDB];
	_ =	sdelay $0x1  }
0x9a: {  	s5 =	simm.s32 $_scs_section_size  }
0x9b: {  	s6 =	simm.s32 $_size__tile_overlayer_lowered;
	s7 =	simm.s32 $_tile_overlayer_lowered  }
0x9c: {  	s22 =	simm.s32 $0x1BFF;
	s21 =	sshll.u32 s7, $0x1;
	s4 =	sadd.s32 s5, s19  }
0x9d: {  	s8 =	simm.s32 $0x0;
	s20 =	sshll.u32 s6, $0x1;
	s6 =	sadd.s32 s21, s4  }
0x9e: {  	[timem:s8], [sflag:s22] =	dma.local [hbm:s6], s20  }
0x9f: {  	_ =	swait.ge [sflag:s22], s20  }
0xa0: {  	s5 =	ssub.s32 $0x0, s20;
	[sflag:s22] =	ssyncset.done $0x0  }
0xa1: {  	[sflag:s22] =	ssyncadd.s32 s5;
	_ =	sdelay $0x1  }
0xa2: {  	s23 =	simm.s32 $0x1B8B  }
0xa3: {  	_ =	swait.ge [sflag:s23], $0x1  }
0xa4: {  	[sflag:s23] =	ssyncset.done $0x0  }
0xa5: {  	s25 =	simm.s32 $0x1B8E;
	s24 =	sld [smem:$0x3FFE];
	[sflag:s23] =	ssyncadd.s32 $0xFFFFFFFF  }
0xa6: {  	s26 =	simm.s32 $execute0_lowered;
	[smem:$0x3FD2] =	sst s25  }
0xa7: {  	s6 =	sshll.u32 s26, $0x1;
	_ =	strace $0x80000046;
	[dreg:$0x1] =	wrdreg $0xFFFFFFFF  }
0xa8: {  	s28 =	simm.s32 $_size_execute0_lowered;
	s4 =	sadd.s32 s4, s6;
	[dreg:$0x0] =	wrdreg $0x0  }
0xa9: {  	s6 =	sshll.u32 s28, $0x1;
	[dreg:$0x2] =	wrdreg s4  }
0xaa: {  	[dreg:$0x3] =	wrdreg s6  }
0xab: {  	[dreg:$0x4] =	wrdreg $0xC0  }
0xac: {  	_ =	task [dreg:s8], $0x5FFFF  }
0xad: {  	[dreg:$0x1] =	wrdreg $0xFFFFFFFF  }
0xae: {  	[dreg:$0x0] =	wrdreg $0x60  }
0xaf: {  	[dreg:$0x2] =	wrdreg s2  }
0xb0: {  	[dreg:$0x3] =	wrdreg s18  }
0xb1: {  	[dreg:$0x4] =	wrdreg s24  }
0xb2: {  	[dreg:$0x5] =	wrdreg $0x9  }
0xb3: {  	_ =	task.clear_ibuf [dreg:s8], $0x6FFFF;
	_ =	strace $0x90000046  }
0xb4: {  	s29 =	simm.s32 $0x9;
	_ =	strace $0x80000048  }
0xb5: {  	_ =	swait.ge [sflag:s29], $0x1  }
0xb6: {  	[sflag:s29] =	ssyncadd.s32 $0xFFFFFFFF  }
0xb7: {  	_ =	strace $0x90000048  }
0xb8: {  	_ =	sfence  }
0xb9: {  	s30 =	sld [smem:$0x0];
	_ =	sdelay $0x2  }
0xba: {  	s31 =	sshll.u32 s1, $0xD;
	s1 =	sshrl.u32 s1, $0x2  }
0xbb: {  	s3 =	sand.u32 $0x4000, s31;
	s1 =	sadd.s32 s1, s30  }
0xbc: {  	s0 =	sor.u32 s3, s0;
	s1 =	sshll.u32 s1, $0x11  }
0xbd: {  	s0 =	sor.u32 s1, s0  }
0xbe: {  	s0 =	sadd.s32 $0x8F2B, s0  }
0xbf: {  	[sflag:s0] =	ssyncadd.remote.s32 $0x1  }
0xc0: {  	_ =	sfence.sel $0xFFFF  }
0xc1: {  	[dreg:$0x0] =	wrdreg $0xFFFFFFFF;
	(pc) =	sbr.abs _section_cstart, $3  }
0xc2: {  	[dreg:$0x1] =	wrdreg $0xFFFFFFFF  }
0xc3: {  	_ =	task.clear_ibuf [dreg:s8], $0x2FFFF;
	_ =	strace $0x9FFFFFFF  }
0xc4: {  	(tm) =	ssettm $0x7FFFFFFF  }
0xc5: {  	_ =	shalt  }
tec
execute0_lowered:
.L_overlay_start_1:
0x0: {  	(tag) =	ssettag $0x1  }
0x1: {  	s1 =	rddreg [dreg:$0x0]  }
0x2: {  	s0 =	rddreg [dreg:$0x1]  }
0x3: {  	s2 =	rddreg [dreg:$0x2];
	s4 =	srdreg.scid  }
0x4: {  	s9 =	stileid.u32;
	s3 =	simm.s32 $0x0;
	s10 =	simm.s32 $0x1  }
0x5: {  	s12 =	simm.s32 $0x2;
	s14 =	simm.s32 $0xA00;
	s15 =	simm.s32 $0x1200  }
0x6: {  	s16 =	simm.s32 $0x1A00;
	s17 =	simm.s32 $0x2200;
	s18 =	simm.s32 $0x2A00  }
0x7: {  	s19 =	simm.s32 $0x3200;
	s20 =	simm.s32 $0x3A00;
	s21 =	simm.s32 $0x4200  }
0x8: {  	s28 =	simm.s32 $0x7200;
	s29 =	simm.s32 $0x7A00;
	s30 =	simm.s32 $0x8200  }
0x9: {  	s31 =	simm.s32 $0x8A00;
	s11 =	simm.s32 $0xA200;
	s4 =	sand.u32 $0x1, s4  }
0xa: {  	s5 =	sshll.u32 s9, $0x1;
	[smem:$0x7FF] =	sst s3;
	s2 =	sadd.s32 $0x1800, s2  }
0xb: {  	s9 =	sshll.u32 s9, $0x7;
	s5 =	sor.u32 s4, s5;
	_ =	strace $0x80000047  }
0xc: {  	s7 =	ssub.s32 $0x2, s4;
	s4 =	sshll.u32 s4, $0x6;
	s6 =	smul.u32 $0x6000, s5  }
0xd: {  	s5 =	smul.u32 $0x30000, s5;
	s8 =	sshrl.u32 s7, $0x1;
	s0 =	sadd.s32 s0, s4  }
0xe: {  	s4 =	simm.s32 $0x200;
	s0 =	sadd.s32 s9, s0;
	s24 =	ssub.s32 s7, s8  }
0xf: {  	s8 =	simm.s32 $0xAA00;
	s9 =	simm.s32 $0xB200;
	s6 =	sadd.s32 s2, s6  }
0x10: {  	s22 =	sshrl.u32 s5, $0x3;
	[dreg:$0x4] =	wrdreg s0;
	s5 =	sadd.s32 $0x100, s1  }
0x11: {  	s7 =	smax.u32 s24, $0x1;
	s24 =	simm.s32 $0x5A00;
	[dreg:$0x8] =	wrdreg s6  }
0x12: {  	s23 =	sadd.s32 $0x1800, s6;
	s2 =	sadd.s32 s2, s22;
	s6 =	sadd.s32 $0x200, s1  }
0x13: {  	v2 =	vlaneseq.u32;
	s22 =	simm.s32 $0x4A00;
	[dreg:$0x5] =	wrdreg s23;
	s25 =	sadd.s32 $0x3000, s2  }
0x14: {  	vm0 =	vmmov $0xffff;
	v1 =	vshrl.u32 v2, $0x3;
	s26 =	sadd.s32 $0x4800, s2;
	s23 =	simm.s32 $0x5200;
	[dreg:$0x6] =	wrdreg s25  }
0x15: {  	v0 =	vand.u32 $0x7, v2;
	v2 =	vor.u32 $0x8, v2;
	v1 =	vmul.u32 $0x8, v1;
	[dreg:$0x7] =	wrdreg s26;
	s25 =	simm.s32 $0x6200;
	s26 =	simm.s32 $0x6A00  }
.LBB2_1:
0x16: {  	s13 =	rddreg [dreg:$0x4];
	s0 =	simm.s32 $0x3  }
0x17: {  	[tilespmem:s3], [sflag:$0x3] =	stream.linear.gather [hbm4b:s13+s3], $0x200, $0x38;
	[tilespmem:$0x18200] =	vst v63  }
0x18: {  	_ =	swait.ge [sflag:s0], $0x200  }
0x19: {  	[sflag:s0] =	ssyncset.done $0x0  }
0x1a: {  	[sflag:s0] =	ssyncadd.s32 $0xFFFFFE00  }
0x1b: {  	v3 =	vld [tilespmem:$0x0];
	_ =	sdelay $0x4  }
0x1c: {  	v4 =	vshrl.u32 v3, $0x3  }
0x1d: {  	v4 =	vmul.u32 $0x30, v4  }
0x1e: {  	v3 =	vand.u32 $0x7, v3  }
0x1f: {  	v3 =	vor.u32 v3, v4  }
0x20: {  	v4 =	vperm.xlane v3, v0;
	_ =	sdelay $0x1  }
0x21: {  	v4 =	vadd.s32 v1, v4;
	_ =	sdelay $0x3  }
0x22: {  	v3 =	vperm.xlane v3, v2  }
0x23: {  	[tilespmem:s4], [sflag:$0x1] =	stream.indirect_vreg.gather [hbm4b:s1+s3], $0x80, v4, vm0, $0xb8;
	[tilespmem:$0x18200] =	vst v63  }
0x24: {  	v3 =	vadd.s32 v1, v3  }
0x25: {  	[tilespmem:s14], [sflag:$0x1] =	stream.indirect_vreg.gather [hbm4b:s5+s3], $0x80, v4, vm0, $0xb8;
	[tilespmem:$0x18200] =	vst v63  }
0x26: {  	_ = 	snop  }
0x27: {  	[tilespmem:s15], [sflag:$0x1] =	stream.indirect_vreg.gather [hbm4b:s6+s3], $0x80, v4, vm0, $0xb8;
	[tilespmem:$0x18200] =	vst v63  }
0x28: {  	_ = 	snop  }
0x29: {  	[tilespmem:s16], [sflag:$0x1] =	stream.indirect_vreg.gather [hbm4b:s1+s3], $0x80, v3, vm0, $0xb8;
	[tilespmem:$0x18200] =	vst v63  }
0x2a: {  	_ = 	snop  }
0x2b: {  	[tilespmem:s17], [sflag:$0x1] =	stream.indirect_vreg.gather [hbm4b:s5+s3], $0x80, v3, vm0, $0xb8;
	[tilespmem:$0x18200] =	vst v63  }
0x2c: {  	_ = 	snop  }
0x2d: {  	[tilespmem:s18], [sflag:$0x1] =	stream.indirect_vreg.gather [hbm4b:s6+s3], $0x80, v3, vm0, $0xb8;
	[tilespmem:$0x18200] =	vst v63  }
0x2e: {  	v3 =	vld [tilespmem:$0x10];
	_ =	sdelay $0x4  }
0x2f: {  	v49 =	vshrl.u32 v3, $0x3  }
0x30: {  	v4 =	vmul.u32 $0x30, v49  }
0x31: {  	v3 =	vand.u32 $0x7, v3  }
0x32: {  	v3 =	vor.u32 v3, v4  }
0x33: {  	v4 =	vperm.xlane v3, v0;
	_ =	sdelay $0x1  }
0x34: {  	v4 =	vadd.s32 v1, v4;
	_ =	sdelay $0x3  }
0x35: {  	v3 =	vperm.xlane v3, v2  }
0x36: {  	[tilespmem:s19], [sflag:$0x1] =	stream.indirect_vreg.gather [hbm4b:s1+s3], $0x80, v4, vm0, $0xb8;
	[tilespmem:$0x18200] =	vst v63  }
0x37: {  	v3 =	vadd.s32 v1, v3  }
0x38: {  	[tilespmem:s20], [sflag:$0x1] =	stream.indirect_vreg.gather [hbm4b:s5+s3], $0x80, v4, vm0, $0xb8;
	[tilespmem:$0x18200] =	vst v63  }
0x39: {  	_ = 	snop  }
0x3a: {  	[tilespmem:s21], [sflag:$0x1] =	stream.indirect_vreg.gather [hbm4b:s6+s3], $0x80, v4, vm0, $0xb8;
	[tilespmem:$0x18200] =	vst v63  }
0x3b: {  	_ = 	snop  }
0x3c: {  	[tilespmem:s22], [sflag:$0x1] =	stream.indirect_vreg.gather [hbm4b:s1+s3], $0x80, v3, vm0, $0xb8;
	[tilespmem:$0x18200] =	vst v63  }
0x3d: {  	_ = 	snop  }
0x3e: {  	[tilespmem:s23], [sflag:$0x1] =	stream.indirect_vreg.gather [hbm4b:s5+s3], $0x80, v3, vm0, $0xb8;
	[tilespmem:$0x18200] =	vst v63  }
0x3f: {  	_ = 	snop  }
0x40: {  	[tilespmem:s24], [sflag:$0x1] =	stream.indirect_vreg.gather [hbm4b:s6+s3], $0x80, v3, vm0, $0xb8;
	[tilespmem:$0x18200] =	vst v63  }
0x41: {  	v3 =	vld [tilespmem:$0x20];
	_ =	sdelay $0x4  }
0x42: {  	v50 =	vshrl.u32 v3, $0x3  }
0x43: {  	v4 =	vmul.u32 $0x30, v50  }
0x44: {  	v3 =	vand.u32 $0x7, v3  }
0x45: {  	v3 =	vor.u32 v3, v4  }
0x46: {  	v4 =	vperm.xlane v3, v0;
	_ =	sdelay $0x1  }
0x47: {  	v4 =	vadd.s32 v1, v4;
	_ =	sdelay $0x3  }
0x48: {  	v3 =	vperm.xlane v3, v2  }
0x49: {  	[tilespmem:s25], [sflag:$0x1] =	stream.indirect_vreg.gather [hbm4b:s1+s3], $0x80, v4, vm0, $0xb8;
	[tilespmem:$0x18200] =	vst v63  }
0x4a: {  	v3 =	vadd.s32 v1, v3  }
0x4b: {  	[tilespmem:s26], [sflag:$0x1] =	stream.indirect_vreg.gather [hbm4b:s5+s3], $0x80, v4, vm0, $0xb8;
	[tilespmem:$0x18200] =	vst v63  }
0x4c: {  	_ = 	snop  }
0x4d: {  	[tilespmem:s28], [sflag:$0x1] =	stream.indirect_vreg.gather [hbm4b:s6+s3], $0x80, v4, vm0, $0xb8;
	[tilespmem:$0x18200] =	vst v63  }
0x4e: {  	_ = 	snop  }
0x4f: {  	[tilespmem:s29], [sflag:$0x1] =	stream.indirect_vreg.gather [hbm4b:s1+s3], $0x80, v3, vm0, $0xb8;
	[tilespmem:$0x18200] =	vst v63  }
0x50: {  	_ = 	snop  }
0x51: {  	[tilespmem:s30], [sflag:$0x1] =	stream.indirect_vreg.gather [hbm4b:s5+s3], $0x80, v3, vm0, $0xb8;
	[tilespmem:$0x18200] =	vst v63  }
0x52: {  	_ = 	snop  }
0x53: {  	[tilespmem:s31], [sflag:$0x1] =	stream.indirect_vreg.gather [hbm4b:s6+s3], $0x80, v3, vm0, $0xb8;
	[tilespmem:$0x18200] =	vst v63  }
0x54: {  	v3 =	vld [tilespmem:$0x30];
	_ =	sdelay $0x4  }
0x55: {  	v51 =	vshrl.u32 v3, $0x3  }
0x56: {  	v4 =	vmul.u32 $0x30, v51  }
0x57: {  	v3 =	vand.u32 $0x7, v3  }
0x58: {  	v3 =	vor.u32 v3, v4  }
0x59: {  	v4 =	vperm.xlane v3, v0;
	_ =	sdelay $0x1  }
0x5a: {  	v4 =	vadd.s32 v1, v4;
	_ =	sdelay $0x3  }
0x5b: {  	s2 =	simm.s32 $0x9200;
	v3 =	vperm.xlane v3, v2  }
0x5c: {  	[tilespmem:s2], [sflag:$0x1] =	stream.indirect_vreg.gather [hbm4b:s1+s3], $0x80, v4, vm0, $0xb8;
	[tilespmem:$0x18200] =	vst v63  }
0x5d: {  	v3 =	vadd.s32 v1, v3;
	s2 =	simm.s32 $0x9A00  }
0x5e: {  	[tilespmem:s2], [sflag:$0x1] =	stream.indirect_vreg.gather [hbm4b:s5+s3], $0x80, v4, vm0, $0xb8;
	[tilespmem:$0x18200] =	vst v63  }
0x5f: {  	_ = 	snop  }
0x60: {  	[tilespmem:s11], [sflag:$0x1] =	stream.indirect_vreg.gather [hbm4b:s6+s3], $0x80, v4, vm0, $0xb8;
	[tilespmem:$0x18200] =	vst v63  }
0x61: {  	_ = 	snop  }
0x62: {  	[tilespmem:s8], [sflag:$0x1] =	stream.indirect_vreg.gather [hbm4b:s1+s3], $0x80, v3, vm0, $0xb8;
	[tilespmem:$0x18200] =	vst v63  }
0x63: {  	_ = 	snop  }
0x64: {  	[tilespmem:s9], [sflag:$0x1] =	stream.indirect_vreg.gather [hbm4b:s5+s3], $0x80, v3, vm0, $0xb8;
	[tilespmem:$0x18200] =	vst v63  }
0x65: {  	s13 =	simm.s32 $0xBA00  }
0x66: {  	[tilespmem:s13], [sflag:$0x1] =	stream.indirect_vreg.gather [hbm4b:s6+s3], $0x80, v3, vm0, $0xb8;
	[tilespmem:$0x18200] =	vst v63  }
0x67: {  	_ =	swait.ge [sflag:s10], $0xC000  }
0x68: {  	[sflag:s10] =	ssyncset.done $0x0  }
0x69: {  	s0 =	rddreg [dreg:$0x8];
	[sflag:s10] =	ssyncadd.s32 $0xFFFF4000  }
0x6a: {  	[hbm4b:s0+s3] =	stream.linear.scatter [tilespmem:s4], [sflag:$0x2], $0xC000, $0x38;
	[tilespmem:$0x18200] =	vst v63  }
0x6b: {  	v3 =	vld [tilespmem:$0x80];
	_ =	sdelay $0x4  }
0x6c: {  	v52 =	vshrl.u32 v3, $0x3  }
0x6d: {  	v4 =	vmul.u32 $0x30, v52  }
0x6e: {  	v3 =	vand.u32 $0x7, v3  }
0x6f: {  	v3 =	vor.u32 v3, v4  }
0x70: {  	v4 =	vperm.xlane v3, v0;
	_ =	sdelay $0x1  }
0x71: {  	v4 =	vadd.s32 v1, v4;
	_ =	sdelay $0x3  }
0x72: {  	s0 =	simm.s32 $0xC200;
	v3 =	vperm.xlane v3, v2  }
0x73: {  	[tilespmem:s0], [sflag:$0x1] =	stream.indirect_vreg.gather [hbm4b:s1+s3], $0x80, v4, vm0, $0xb8;
	[tilespmem:$0x18200] =	vst v63  }
0x74: {  	s13 =	simm.s32 $0xCA00;
	v3 =	vadd.s32 v1, v3  }
0x75: {  	[tilespmem:s13], [sflag:$0x1] =	stream.indirect_vreg.gather [hbm4b:s5+s3], $0x80, v4, vm0, $0xb8;
	[tilespmem:$0x18200] =	vst v63  }
0x76: {  	s13 =	simm.s32 $0xD200  }
0x77: {  	[tilespmem:s13], [sflag:$0x1] =	stream.indirect_vreg.gather [hbm4b:s6+s3], $0x80, v4, vm0, $0xb8;
	[tilespmem:$0x18200] =	vst v63  }
0x78: {  	s13 =	simm.s32 $0xDA00  }
0x79: {  	[tilespmem:s13], [sflag:$0x1] =	stream.indirect_vreg.gather [hbm4b:s1+s3], $0x80, v3, vm0, $0xb8;
	[tilespmem:$0x18200] =	vst v63  }
0x7a: {  	s13 =	simm.s32 $0xE200  }
0x7b: {  	[tilespmem:s13], [sflag:$0x1] =	stream.indirect_vreg.gather [hbm4b:s5+s3], $0x80, v3, vm0, $0xb8;
	[tilespmem:$0x18200] =	vst v63  }
0x7c: {  	s13 =	simm.s32 $0xEA00  }
0x7d: {  	[tilespmem:s13], [sflag:$0x1] =	stream.indirect_vreg.gather [hbm4b:s6+s3], $0x80, v3, vm0, $0xb8;
	[tilespmem:$0x18200] =	vst v63  }
0x7e: {  	v3 =	vld [tilespmem:$0x90];
	_ =	sdelay $0x4  }
0x7f: {  	v53 =	vshrl.u32 v3, $0x3  }
0x80: {  	v4 =	vmul.u32 $0x30, v53  }
0x81: {  	v3 =	vand.u32 $0x7, v3  }
0x82: {  	v3 =	vor.u32 v3, v4  }
0x83: {  	v4 =	vperm.xlane v3, v0;
	_ =	sdelay $0x1  }
0x84: {  	v4 =	vadd.s32 v1, v4;
	_ =	sdelay $0x3  }
0x85: {  	s13 =	simm.s32 $0xF200;
	v3 =	vperm.xlane v3, v2  }
0x86: {  	[tilespmem:s13], [sflag:$0x1] =	stream.indirect_vreg.gather [hbm4b:s1+s3], $0x80, v4, vm0, $0xb8;
	[tilespmem:$0x18200] =	vst v63  }
0x87: {  	v3 =	vadd.s32 v1, v3;
	s13 =	simm.s32 $0xFA00  }
0x88: {  	[tilespmem:s13], [sflag:$0x1] =	stream.indirect_vreg.gather [hbm4b:s5+s3], $0x80, v4, vm0, $0xb8;
	[tilespmem:$0x18200] =	vst v63  }
0x89: {  	s13 =	simm.s32 $0x10200  }
0x8a: {  	[tilespmem:s13], [sflag:$0x1] =	stream.indirect_vreg.gather [hbm4b:s6+s3], $0x80, v4, vm0, $0xb8;
	[tilespmem:$0x18200] =	vst v63  }
0x8b: {  	s13 =	simm.s32 $0x10A00  }
0x8c: {  	[tilespmem:s13], [sflag:$0x1] =	stream.indirect_vreg.gather [hbm4b:s1+s3], $0x80, v3, vm0, $0xb8;
	[tilespmem:$0x18200] =	vst v63  }
0x8d: {  	s13 =	simm.s32 $0x11200  }
0x8e: {  	[tilespmem:s13], [sflag:$0x1] =	stream.indirect_vreg.gather [hbm4b:s5+s3], $0x80, v3, vm0, $0xb8;
	[tilespmem:$0x18200] =	vst v63  }
0x8f: {  	s13 =	simm.s32 $0x11A00  }
0x90: {  	[tilespmem:s13], [sflag:$0x1] =	stream.indirect_vreg.gather [hbm4b:s6+s3], $0x80, v3, vm0, $0xb8;
	[tilespmem:$0x18200] =	vst v63  }
0x91: {  	v3 =	vld [tilespmem:$0xA0];
	_ =	sdelay $0x4  }
0x92: {  	v54 =	vshrl.u32 v3, $0x3  }
0x93: {  	v4 =	vmul.u32 $0x30, v54  }
0x94: {  	v3 =	vand.u32 $0x7, v3  }
0x95: {  	v3 =	vor.u32 v3, v4  }
0x96: {  	v4 =	vperm.xlane v3, v0;
	_ =	sdelay $0x1  }
0x97: {  	v4 =	vadd.s32 v1, v4;
	_ =	sdelay $0x3  }
0x98: {  	s13 =	simm.s32 $0x12200;
	v3 =	vperm.xlane v3, v2  }
0x99: {  	[tilespmem:s13], [sflag:$0x1] =	stream.indirect_vreg.gather [hbm4b:s1+s3], $0x80, v4, vm0, $0xb8;
	[tilespmem:$0x18200] =	vst v63  }
0x9a: {  	v3 =	vadd.s32 v1, v3;
	s13 =	simm.s32 $0x12A00  }
0x9b: {  	[tilespmem:s13], [sflag:$0x1] =	stream.indirect_vreg.gather [hbm4b:s5+s3], $0x80, v4, vm0, $0xb8;
	[tilespmem:$0x18200] =	vst v63  }
0x9c: {  	s13 =	simm.s32 $0x13200  }
0x9d: {  	[tilespmem:s13], [sflag:$0x1] =	stream.indirect_vreg.gather [hbm4b:s6+s3], $0x80, v4, vm0, $0xb8;
	[tilespmem:$0x18200] =	vst v63  }
0x9e: {  	s13 =	simm.s32 $0x13A00  }
0x9f: {  	[tilespmem:s13], [sflag:$0x1] =	stream.indirect_vreg.gather [hbm4b:s1+s3], $0x80, v3, vm0, $0xb8;
	[tilespmem:$0x18200] =	vst v63  }
0xa0: {  	s13 =	simm.s32 $0x14200  }
0xa1: {  	[tilespmem:s13], [sflag:$0x1] =	stream.indirect_vreg.gather [hbm4b:s5+s3], $0x80, v3, vm0, $0xb8;
	[tilespmem:$0x18200] =	vst v63  }
0xa2: {  	s13 =	simm.s32 $0x14A00  }
0xa3: {  	[tilespmem:s13], [sflag:$0x1] =	stream.indirect_vreg.gather [hbm4b:s6+s3], $0x80, v3, vm0, $0xb8;
	[tilespmem:$0x18200] =	vst v63  }
0xa4: {  	v3 =	vld [tilespmem:$0xB0];
	_ =	sdelay $0x4  }
0xa5: {  	v55 =	vshrl.u32 v3, $0x3  }
0xa6: {  	v4 =	vmul.u32 $0x30, v55  }
0xa7: {  	v3 =	vand.u32 $0x7, v3  }
0xa8: {  	v3 =	vor.u32 v3, v4  }
0xa9: {  	v4 =	vperm.xlane v3, v0;
	_ =	sdelay $0x1  }
0xaa: {  	v4 =	vadd.s32 v1, v4;
	_ =	sdelay $0x3  }
0xab: {  	s13 =	simm.s32 $0x15200;
	v3 =	vperm.xlane v3, v2  }
0xac: {  	[tilespmem:s13], [sflag:$0x1] =	stream.indirect_vreg.gather [hbm4b:s1+s3], $0x80, v4, vm0, $0xb8;
	[tilespmem:$0x18200] =	vst v63  }
0xad: {  	v3 =	vadd.s32 v1, v3;
	s13 =	simm.s32 $0x15A00  }
0xae: {  	[tilespmem:s13], [sflag:$0x1] =	stream.indirect_vreg.gather [hbm4b:s5+s3], $0x80, v4, vm0, $0xb8;
	[tilespmem:$0x18200] =	vst v63  }
0xaf: {  	s13 =	simm.s32 $0x16200  }
0xb0: {  	[tilespmem:s13], [sflag:$0x1] =	stream.indirect_vreg.gather [hbm4b:s6+s3], $0x80, v4, vm0, $0xb8;
	[tilespmem:$0x18200] =	vst v63  }
0xb1: {  	s13 =	simm.s32 $0x16A00  }
0xb2: {  	[tilespmem:s13], [sflag:$0x1] =	stream.indirect_vreg.gather [hbm4b:s1+s3], $0x80, v3, vm0, $0xb8;
	[tilespmem:$0x18200] =	vst v63  }
0xb3: {  	s13 =	simm.s32 $0x17200  }
0xb4: {  	[tilespmem:s13], [sflag:$0x1] =	stream.indirect_vreg.gather [hbm4b:s5+s3], $0x80, v3, vm0, $0xb8;
	[tilespmem:$0x18200] =	vst v63  }
0xb5: {  	s13 =	simm.s32 $0x17A00  }
0xb6: {  	[tilespmem:s13], [sflag:$0x1] =	stream.indirect_vreg.gather [hbm4b:s6+s3], $0x80, v3, vm0, $0xb8;
	[tilespmem:$0x18200] =	vst v63  }
0xb7: {  	_ =	swait.ge [sflag:s10], $0xC000  }
0xb8: {  	[sflag:s10] =	ssyncset.done $0x0  }
0xb9: {  	s13 =	rddreg [dreg:$0x5];
	[sflag:s10] =	ssyncadd.s32 $0xFFFF4000  }
0xba: {  	[hbm4b:s13+s3] =	stream.linear.scatter [tilespmem:s0], [sflag:$0x2], $0xC000, $0x38;
	[tilespmem:$0x18200] =	vst v63  }
0xbb: {  	_ =	swait.ge [sflag:s12], $0xC000  }
0xbc: {  	[sflag:s12] =	ssyncset.done $0x0  }
0xbd: {  	[sflag:s12] =	ssyncadd.s32 $0xFFFF4000  }
0xbe: {  	v3 =	vld [tilespmem:$0x100];
	_ =	sdelay $0x4  }
0xbf: {  	v56 =	vshrl.u32 v3, $0x3  }
0xc0: {  	v4 =	vmul.u32 $0x30, v56  }
0xc1: {  	v3 =	vand.u32 $0x7, v3  }
0xc2: {  	v3 =	vor.u32 v3, v4  }
0xc3: {  	v4 =	vperm.xlane v3, v0;
	_ =	sdelay $0x1  }
0xc4: {  	v4 =	vadd.s32 v1, v4;
	_ =	sdelay $0x3  }
0xc5: {  	v3 =	vperm.xlane v3, v2  }
0xc6: {  	[tilespmem:s4], [sflag:$0x1] =	stream.indirect_vreg.gather [hbm4b:s1+s3], $0x80, v4, vm0, $0xb8;
	[tilespmem:$0x18200] =	vst v63  }
0xc7: {  	v3 =	vadd.s32 v1, v3  }
0xc8: {  	[tilespmem:s14], [sflag:$0x1] =	stream.indirect_vreg.gather [hbm4b:s5+s3], $0x80, v4, vm0, $0xb8;
	[tilespmem:$0x18200] =	vst v63  }
0xc9: {  	_ = 	snop  }
0xca: {  	[tilespmem:s15], [sflag:$0x1] =	stream.indirect_vreg.gather [hbm4b:s6+s3], $0x80, v4, vm0, $0xb8;
	[tilespmem:$0x18200] =	vst v63  }
0xcb: {  	_ = 	snop  }
0xcc: {  	[tilespmem:s16], [sflag:$0x1] =	stream.indirect_vreg.gather [hbm4b:s1+s3], $0x80, v3, vm0, $0xb8;
	[tilespmem:$0x18200] =	vst v63  }
0xcd: {  	_ = 	snop  }
0xce: {  	[tilespmem:s17], [sflag:$0x1] =	stream.indirect_vreg.gather [hbm4b:s5+s3], $0x80, v3, vm0, $0xb8;
	[tilespmem:$0x18200] =	vst v63  }
0xcf: {  	_ = 	snop  }
0xd0: {  	[tilespmem:s18], [sflag:$0x1] =	stream.indirect_vreg.gather [hbm4b:s6+s3], $0x80, v3, vm0, $0xb8;
	[tilespmem:$0x18200] =	vst v63  }
0xd1: {  	v3 =	vld [tilespmem:$0x110];
	_ =	sdelay $0x4  }
0xd2: {  	v57 =	vshrl.u32 v3, $0x3  }
0xd3: {  	v4 =	vmul.u32 $0x30, v57  }
0xd4: {  	v3 =	vand.u32 $0x7, v3  }
0xd5: {  	v3 =	vor.u32 v3, v4  }
0xd6: {  	v4 =	vperm.xlane v3, v0;
	_ =	sdelay $0x1  }
0xd7: {  	v4 =	vadd.s32 v1, v4;
	_ =	sdelay $0x3  }
0xd8: {  	v3 =	vperm.xlane v3, v2  }
0xd9: {  	[tilespmem:s19], [sflag:$0x1] =	stream.indirect_vreg.gather [hbm4b:s1+s3], $0x80, v4, vm0, $0xb8;
	[tilespmem:$0x18200] =	vst v63  }
0xda: {  	v3 =	vadd.s32 v1, v3  }
0xdb: {  	[tilespmem:s20], [sflag:$0x1] =	stream.indirect_vreg.gather [hbm4b:s5+s3], $0x80, v4, vm0, $0xb8;
	[tilespmem:$0x18200] =	vst v63  }
0xdc: {  	_ = 	snop  }
0xdd: {  	[tilespmem:s21], [sflag:$0x1] =	stream.indirect_vreg.gather [hbm4b:s6+s3], $0x80, v4, vm0, $0xb8;
	[tilespmem:$0x18200] =	vst v63  }
0xde: {  	_ = 	snop  }
0xdf: {  	[tilespmem:s22], [sflag:$0x1] =	stream.indirect_vreg.gather [hbm4b:s1+s3], $0x80, v3, vm0, $0xb8;
	[tilespmem:$0x18200] =	vst v63  }
0xe0: {  	_ = 	snop  }
0xe1: {  	[tilespmem:s23], [sflag:$0x1] =	stream.indirect_vreg.gather [hbm4b:s5+s3], $0x80, v3, vm0, $0xb8;
	[tilespmem:$0x18200] =	vst v63  }
0xe2: {  	_ = 	snop  }
0xe3: {  	[tilespmem:s24], [sflag:$0x1] =	stream.indirect_vreg.gather [hbm4b:s6+s3], $0x80, v3, vm0, $0xb8;
	[tilespmem:$0x18200] =	vst v63  }
0xe4: {  	v3 =	vld [tilespmem:$0x120];
	_ =	sdelay $0x4  }
0xe5: {  	v58 =	vshrl.u32 v3, $0x3  }
0xe6: {  	v4 =	vmul.u32 $0x30, v58  }
0xe7: {  	v3 =	vand.u32 $0x7, v3  }
0xe8: {  	v3 =	vor.u32 v3, v4  }
0xe9: {  	v4 =	vperm.xlane v3, v0;
	_ =	sdelay $0x1  }
0xea: {  	v4 =	vadd.s32 v1, v4;
	_ =	sdelay $0x3  }
0xeb: {  	v3 =	vperm.xlane v3, v2  }
0xec: {  	[tilespmem:s25], [sflag:$0x1] =	stream.indirect_vreg.gather [hbm4b:s1+s3], $0x80, v4, vm0, $0xb8;
	[tilespmem:$0x18200] =	vst v63  }
0xed: {  	v3 =	vadd.s32 v1, v3  }
0xee: {  	[tilespmem:s26], [sflag:$0x1] =	stream.indirect_vreg.gather [hbm4b:s5+s3], $0x80, v4, vm0, $0xb8;
	[tilespmem:$0x18200] =	vst v63  }
0xef: {  	_ = 	snop  }
0xf0: {  	[tilespmem:s28], [sflag:$0x1] =	stream.indirect_vreg.gather [hbm4b:s6+s3], $0x80, v4, vm0, $0xb8;
	[tilespmem:$0x18200] =	vst v63  }
0xf1: {  	_ = 	snop  }
0xf2: {  	[tilespmem:s29], [sflag:$0x1] =	stream.indirect_vreg.gather [hbm4b:s1+s3], $0x80, v3, vm0, $0xb8;
	[tilespmem:$0x18200] =	vst v63  }
0xf3: {  	_ = 	snop  }
0xf4: {  	[tilespmem:s30], [sflag:$0x1] =	stream.indirect_vreg.gather [hbm4b:s5+s3], $0x80, v3, vm0, $0xb8;
	[tilespmem:$0x18200] =	vst v63  }
0xf5: {  	_ = 	snop  }
0xf6: {  	[tilespmem:s31], [sflag:$0x1] =	stream.indirect_vreg.gather [hbm4b:s6+s3], $0x80, v3, vm0, $0xb8;
	[tilespmem:$0x18200] =	vst v63  }
0xf7: {  	v3 =	vld [tilespmem:$0x130];
	_ =	sdelay $0x4  }
0xf8: {  	v59 =	vshrl.u32 v3, $0x3  }
0xf9: {  	v4 =	vmul.u32 $0x30, v59  }
0xfa: {  	v3 =	vand.u32 $0x7, v3  }
0xfb: {  	v3 =	vor.u32 v3, v4  }
0xfc: {  	v4 =	vperm.xlane v3, v0;
	_ =	sdelay $0x1  }
0xfd: {  	v4 =	vadd.s32 v1, v4;
	_ =	sdelay $0x3  }
0xfe: {  	s13 =	simm.s32 $0x9200;
	v3 =	vperm.xlane v3, v2  }
0xff: {  	[tilespmem:s13], [sflag:$0x1] =	stream.indirect_vreg.gather [hbm4b:s1+s3], $0x80, v4, vm0, $0xb8;
	[tilespmem:$0x18200] =	vst v63  }
0x100: {  	v3 =	vadd.s32 v1, v3  }
0x101: {  	[tilespmem:s2], [sflag:$0x1] =	stream.indirect_vreg.gather [hbm4b:s5+s3], $0x80, v4, vm0, $0xb8;
	[tilespmem:$0x18200] =	vst v63  }
0x102: {  	_ = 	snop  }
0x103: {  	[tilespmem:s11], [sflag:$0x1] =	stream.indirect_vreg.gather [hbm4b:s6+s3], $0x80, v4, vm0, $0xb8;
	[tilespmem:$0x18200] =	vst v63  }
0x104: {  	_ = 	snop  }
0x105: {  	[tilespmem:s8], [sflag:$0x1] =	stream.indirect_vreg.gather [hbm4b:s1+s3], $0x80, v3, vm0, $0xb8;
	[tilespmem:$0x18200] =	vst v63  }
0x106: {  	_ = 	snop  }
0x107: {  	[tilespmem:s9], [sflag:$0x1] =	stream.indirect_vreg.gather [hbm4b:s5+s3], $0x80, v3, vm0, $0xb8;
	[tilespmem:$0x18200] =	vst v63  }
0x108: {  	s13 =	simm.s32 $0xBA00  }
0x109: {  	[tilespmem:s13], [sflag:$0x1] =	stream.indirect_vreg.gather [hbm4b:s6+s3], $0x80, v3, vm0, $0xb8;
	[tilespmem:$0x18200] =	vst v63  }
0x10a: {  	_ =	swait.ge [sflag:s10], $0xC000  }
0x10b: {  	[sflag:s10] =	ssyncset.done $0x0  }
0x10c: {  	s2 =	rddreg [dreg:$0x6];
	[sflag:s10] =	ssyncadd.s32 $0xFFFF4000  }
0x10d: {  	[hbm4b:s2+s3] =	stream.linear.scatter [tilespmem:s4], [sflag:$0x2], $0xC000, $0x38;
	[tilespmem:$0x18200] =	vst v63  }
0x10e: {  	_ =	swait.ge [sflag:s12], $0xC000  }
0x10f: {  	[sflag:s12] =	ssyncset.done $0x0  }
0x110: {  	[sflag:s12] =	ssyncadd.s32 $0xFFFF4000  }
0x111: {  	v3 =	vld [tilespmem:$0x180];
	_ =	sdelay $0x4  }
0x112: {  	v60 =	vshrl.u32 v3, $0x3  }
0x113: {  	v4 =	vmul.u32 $0x30, v60  }
0x114: {  	v3 =	vand.u32 $0x7, v3  }
0x115: {  	v3 =	vor.u32 v3, v4  }
0x116: {  	v4 =	vperm.xlane v3, v0;
	_ =	sdelay $0x1  }
0x117: {  	v4 =	vadd.s32 v1, v4;
	_ =	sdelay $0x3  }
0x118: {  	v3 =	vperm.xlane v3, v2  }
0x119: {  	[tilespmem:s0], [sflag:$0x1] =	stream.indirect_vreg.gather [hbm4b:s1+s3], $0x80, v4, vm0, $0xb8;
	[tilespmem:$0x18200] =	vst v63  }
0x11a: {  	s13 =	simm.s32 $0xCA00;
	v3 =	vadd.s32 v1, v3  }
0x11b: {  	[tilespmem:s13], [sflag:$0x1] =	stream.indirect_vreg.gather [hbm4b:s5+s3], $0x80, v4, vm0, $0xb8;
	[tilespmem:$0x18200] =	vst v63  }
0x11c: {  	s13 =	simm.s32 $0xD200  }
0x11d: {  	[tilespmem:s13], [sflag:$0x1] =	stream.indirect_vreg.gather [hbm4b:s6+s3], $0x80, v4, vm0, $0xb8;
	[tilespmem:$0x18200] =	vst v63  }
0x11e: {  	s13 =	simm.s32 $0xDA00  }
0x11f: {  	[tilespmem:s13], [sflag:$0x1] =	stream.indirect_vreg.gather [hbm4b:s1+s3], $0x80, v3, vm0, $0xb8;
	[tilespmem:$0x18200] =	vst v63  }
0x120: {  	s13 =	simm.s32 $0xE200  }
0x121: {  	[tilespmem:s13], [sflag:$0x1] =	stream.indirect_vreg.gather [hbm4b:s5+s3], $0x80, v3, vm0, $0xb8;
	[tilespmem:$0x18200] =	vst v63  }
0x122: {  	s13 =	simm.s32 $0xEA00  }
0x123: {  	[tilespmem:s13], [sflag:$0x1] =	stream.indirect_vreg.gather [hbm4b:s6+s3], $0x80, v3, vm0, $0xb8;
	[tilespmem:$0x18200] =	vst v63  }
0x124: {  	v3 =	vld [tilespmem:$0x190];
	_ =	sdelay $0x4  }
0x125: {  	v61 =	vshrl.u32 v3, $0x3  }
0x126: {  	v4 =	vmul.u32 $0x30, v61  }
0x127: {  	v3 =	vand.u32 $0x7, v3  }
0x128: {  	v3 =	vor.u32 v3, v4  }
0x129: {  	v4 =	vperm.xlane v3, v0;
	_ =	sdelay $0x1  }
0x12a: {  	v4 =	vadd.s32 v1, v4;
	_ =	sdelay $0x3  }
0x12b: {  	s13 =	simm.s32 $0xF200;
	v3 =	vperm.xlane v3, v2  }
0x12c: {  	[tilespmem:s13], [sflag:$0x1] =	stream.indirect_vreg.gather [hbm4b:s1+s3], $0x80, v4, vm0, $0xb8;
	[tilespmem:$0x18200] =	vst v63  }
0x12d: {  	v3 =	vadd.s32 v1, v3;
	s13 =	simm.s32 $0xFA00  }
0x12e: {  	[tilespmem:s13], [sflag:$0x1] =	stream.indirect_vreg.gather [hbm4b:s5+s3], $0x80, v4, vm0, $0xb8;
	[tilespmem:$0x18200] =	vst v63  }
0x12f: {  	s13 =	simm.s32 $0x10200  }
0x130: {  	[tilespmem:s13], [sflag:$0x1] =	stream.indirect_vreg.gather [hbm4b:s6+s3], $0x80, v4, vm0, $0xb8;
	[tilespmem:$0x18200] =	vst v63  }
0x131: {  	s13 =	simm.s32 $0x10A00  }
0x132: {  	[tilespmem:s13], [sflag:$0x1] =	stream.indirect_vreg.gather [hbm4b:s1+s3], $0x80, v3, vm0, $0xb8;
	[tilespmem:$0x18200] =	vst v63  }
0x133: {  	s13 =	simm.s32 $0x11200  }
0x134: {  	[tilespmem:s13], [sflag:$0x1] =	stream.indirect_vreg.gather [hbm4b:s5+s3], $0x80, v3, vm0, $0xb8;
	[tilespmem:$0x18200] =	vst v63  }
0x135: {  	s13 =	simm.s32 $0x11A00  }
0x136: {  	[tilespmem:s13], [sflag:$0x1] =	stream.indirect_vreg.gather [hbm4b:s6+s3], $0x80, v3, vm0, $0xb8;
	[tilespmem:$0x18200] =	vst v63  }
0x137: {  	v3 =	vld [tilespmem:$0x1A0];
	_ =	sdelay $0x4  }
0x138: {  	v62 =	vshrl.u32 v3, $0x3  }
0x139: {  	v4 =	vmul.u32 $0x30, v62  }
0x13a: {  	v3 =	vand.u32 $0x7, v3  }
0x13b: {  	v3 =	vor.u32 v3, v4  }
0x13c: {  	v4 =	vperm.xlane v3, v0;
	_ =	sdelay $0x1  }
0x13d: {  	v4 =	vadd.s32 v1, v4;
	_ =	sdelay $0x3  }
0x13e: {  	s13 =	simm.s32 $0x12200;
	v3 =	vperm.xlane v3, v2  }
0x13f: {  	[tilespmem:s13], [sflag:$0x1] =	stream.indirect_vreg.gather [hbm4b:s1+s3], $0x80, v4, vm0, $0xb8;
	[tilespmem:$0x18200] =	vst v63  }
0x140: {  	v3 =	vadd.s32 v1, v3;
	s13 =	simm.s32 $0x12A00  }
0x141: {  	[tilespmem:s13], [sflag:$0x1] =	stream.indirect_vreg.gather [hbm4b:s5+s3], $0x80, v4, vm0, $0xb8;
	[tilespmem:$0x18200] =	vst v63  }
0x142: {  	s13 =	simm.s32 $0x13200  }
0x143: {  	[tilespmem:s13], [sflag:$0x1] =	stream.indirect_vreg.gather [hbm4b:s6+s3], $0x80, v4, vm0, $0xb8;
	[tilespmem:$0x18200] =	vst v63  }
0x144: {  	s13 =	simm.s32 $0x13A00  }
0x145: {  	[tilespmem:s13], [sflag:$0x1] =	stream.indirect_vreg.gather [hbm4b:s1+s3], $0x80, v3, vm0, $0xb8;
	[tilespmem:$0x18200] =	vst v63  }
0x146: {  	s13 =	simm.s32 $0x14200  }
0x147: {  	[tilespmem:s13], [sflag:$0x1] =	stream.indirect_vreg.gather [hbm4b:s5+s3], $0x80, v3, vm0, $0xb8;
	[tilespmem:$0x18200] =	vst v63  }
0x148: {  	s13 =	simm.s32 $0x14A00  }
0x149: {  	[tilespmem:s13], [sflag:$0x1] =	stream.indirect_vreg.gather [hbm4b:s6+s3], $0x80, v3, vm0, $0xb8;
	[tilespmem:$0x18200] =	vst v63  }
0x14a: {  	v3 =	vld [tilespmem:$0x1B0];
	_ =	sdelay $0x4  }
0x14b: {  	v63 =	vshrl.u32 v3, $0x3  }
0x14c: {  	v4 =	vmul.u32 $0x30, v63  }
0x14d: {  	v3 =	vand.u32 $0x7, v3  }
0x14e: {  	v3 =	vor.u32 v3, v4  }
0x14f: {  	v4 =	vperm.xlane v3, v0;
	_ =	sdelay $0x1  }
0x150: {  	v4 =	vadd.s32 v1, v4;
	_ =	sdelay $0x3  }
0x151: {  	s13 =	simm.s32 $0x15200;
	v3 =	vperm.xlane v3, v2  }
0x152: {  	[tilespmem:s13], [sflag:$0x1] =	stream.indirect_vreg.gather [hbm4b:s1+s3], $0x80, v4, vm0, $0xb8;
	[tilespmem:$0x18200] =	vst v63  }
0x153: {  	v3 =	vadd.s32 v1, v3;
	s13 =	simm.s32 $0x15A00  }
0x154: {  	[tilespmem:s13], [sflag:$0x1] =	stream.indirect_vreg.gather [hbm4b:s5+s3], $0x80, v4, vm0, $0xb8;
	[tilespmem:$0x18200] =	vst v63  }
0x155: {  	s13 =	simm.s32 $0x16200  }
0x156: {  	[tilespmem:s13], [sflag:$0x1] =	stream.indirect_vreg.gather [hbm4b:s6+s3], $0x80, v4, vm0, $0xb8;
	[tilespmem:$0x18200] =	vst v63  }
0x157: {  	s13 =	simm.s32 $0x16A00  }
0x158: {  	[tilespmem:s13], [sflag:$0x1] =	stream.indirect_vreg.gather [hbm4b:s1+s3], $0x80, v3, vm0, $0xb8;
	[tilespmem:$0x18200] =	vst v63  }
0x159: {  	s13 =	simm.s32 $0x17200  }
0x15a: {  	[tilespmem:s13], [sflag:$0x1] =	stream.indirect_vreg.gather [hbm4b:s5+s3], $0x80, v3, vm0, $0xb8;
	[tilespmem:$0x18200] =	vst v63  }
0x15b: {  	s13 =	simm.s32 $0x17A00  }
0x15c: {  	[tilespmem:s13], [sflag:$0x1] =	stream.indirect_vreg.gather [hbm4b:s6+s3], $0x80, v3, vm0, $0xb8;
	[tilespmem:$0x18200] =	vst v63  }
0x15d: {  	_ =	swait.ge [sflag:s10], $0xC000  }
0x15e: {  	[sflag:s10] =	ssyncset.done $0x0  }
0x15f: {  	s2 =	rddreg [dreg:$0x7];
	[sflag:s10] =	ssyncadd.s32 $0xFFFF4000  }
0x160: {  	[hbm4b:s2+s3] =	stream.linear.scatter [tilespmem:s0], [sflag:$0x2], $0xC000, $0x38;
	[tilespmem:$0x18200] =	vst v63  }
0x161: {  	p0 =	sne.s32 s7, $0x1;
	_ =	swait.ge [sflag:s12], $0xC000  }
.Ltmp0:
0x162: {  	[sflag:s12] =	ssyncset.done $0x0;
	(pc) =	sbr.rel @p0 .LBB2_1-.Ltmp0, $4  }
0x163: {  	[sflag:s12] =	ssyncadd.s32 $0xFFFF4000  }
0x164: {  	_ =	swait.ge [sflag:s12], $0xC000  }
0x165: {  	[sflag:s12] =	ssyncset.done $0x0  }
0x166: {  	s7 =	sadd.s32 $0xFFFFFFFF, s7;
	[sflag:s12] =	ssyncadd.s32 $0xFFFF4000  }
0x167: {  	_ =	sfence.sel $0x180000  }
0x168: {  	[bflag:$0x0] =	sbarrier.arrive $0xFFFF  }
0x169: {  	_ =	strace $0x90000047  }
0x16a: {  	s0 =	stileid.u32;
	[bflag:$0x2] =	sbarrier.arrive $0xFFFF  }
0x16b: {  	p0 =	sne.s32 s0, $0x0;
	s0 =	rddreg [dreg:$0x3]  }
0x16c: {  	s0 =	sadd.s32 @!p0 $0x100000, s0  }
0x16d: {  	[sflag:s0] =	ssyncadd.tile.s32 @!p0 $0x1;
	_ =	shalt  }
.Lfunc_end2:
_tile_overlayer_lowered:
.L_overlay_start_2:
0x16e: {  	(tag) =	ssettag $0x2  }
0x16f: {  	s0 =	rddreg [dreg:$0x0];
	s2 =	stileid.u32  }
0x170: {  	s1 =	rddreg [dreg:$0x1];
	p0 =	sne.s32 s2, $0x0  }
0x171: {  	s3 =	rddreg [dreg:$0x2];
	[bflag:$0x3] =	sbarrier.arrive $0xFFFF;
	s2 =	simm.s32 @!p0 $0x1C03  }
0x172: {  	[timem:s3], [sflag:s2] =	dma.local @!p0 [hbm:s0], s1  }
0x173: {  	s0 =	simm.s32 @!p0 $0x3  }
0x174: {  	_ =	swait.ge @!p0 [sflag:s0], s1  }
0x175: {  	s1 =	ssub.s32 @!p0 $0x0, s1;
	[sflag:s0] =	ssyncset.done @!p0 $0x0  }
0x176: {  	[sflag:s0] =	ssyncadd.s32 @!p0 s1  }
0x177: {  	[bflag:$0x3] =	sbarrier.arrive $0xFFFF  }
0x178: {  	_ =	shalt  }

// kernel: kernel.9.cloned.1.call-start
scs
__scs_entry_jumppad:
0x0: {  	(pc) =	sbr.rel $0x88, $3  }
0x1: {  	(tag) =	ssettag $0x0;
	lr =	simm.s32 $0x1  }
0x2: {  	[smem:$0x3F9B] =	sst lr;
	_ =	strace $0xD0000000  }
0x3: {  	_ = 	snop  }
0x4: {  	_ = 	snop  }
0x5: {  	_ = 	snop  }
0x6: {  	_ = 	snop  }
0x7: {  	_ = 	snop  }
__scs_overlays_trampoline_lowered:
0x8: {  	[smem:$0x3FAA] =	sst s0  }
0x9: {  	[smem:$0x3FAB] =	sst s1  }
0xa: {  	[smem:$0x3FAC] =	sst s2  }
0xb: {  	[smem:$0x3FAD] =	sst s3  }
0xc: {  	[smem:$0x3FAE] =	sst s4  }
0xd: {  	[smem:$0x3FAF] =	sst s5  }
0xe: {  	[smem:$0x3FB0] =	sst s6  }
0xf: {  	[smem:$0x3FB1] =	sst s7  }
0x10: {  	[smem:$0x3FB2] =	sst s8  }
0x11: {  	[smem:$0x3FB3] =	sst s9;
	s0 =	simm.s32 @!p0 $0x0  }
0x12: {  	s1 =	sld [smem:$0x3F99];
	s0 =	simm.s32 @p0 $0x1  }
0x13: {  	[smem:$0x3FB4] =	sst s0;
	s0 =	simm.s32 @!p1 $0x0  }
0x14: {  	s2 =	sld [smem:$0x3F98];
	s0 =	simm.s32 @p1 $0x1  }
0x15: {  	[smem:$0x3FB5] =	sst s0;
	s0 =	simm.s32 @!p2 $0x0  }
0x16: {  	s3 =	sld [smem:$0x3FDB];
	s0 =	simm.s32 @p2 $0x1  }
0x17: {  	s4 =	simm.s32 $0x1BF5;
	[smem:$0x3FB7] =	sst s0  }
0x18: {  	s0 =	sld [smem:$0x3F9A];
	_ =	swait.ge [sflag:s4], $0x0  }
0x19: {  	s7 =	sld [smem:$0x3F9B]  }
0x1a: {  	s8 =	sadd.s32 $0xFFFFE003, lr  }
0x1b: {  	s9 =	sadd.s32 $0xFFFFFEF7, lr;
	s5 =	simm.s32 $0xFFFFFFFF;
	p2 =	slt.u32 s8, $0xFFFFF086  }
0x1c: {  	p1 =	slt.u32 s9, $0xF7A;
	s5 =	simm.s32 @!p2 $0x0  }
0x1d: {  	s5 =	simm.s32 @p1 $0x1;
	p0 =	seq.s32 s7, s2  }
0x1e: {  	s7 =	smul.u32 @!p0 $0xF7A, s2;
	p2 =	seq.s32 @!p0 s5, $0x0  }
0x1f: {  	s9 =	smul.u32 $0xF7A, s1;
	s8 =	simm.s32 @!p0 $0x1BF5;
	p2 =	por !p2, p0  }
0x20: {  	[sflag:s8] =	ssyncset.s32 @!p0 $0xFFFFF086;
	s6 =	sadd.s32 @!p0 s3, s7;
	s7 =	simm.s32 @!p0 $0x108  }
0x21: {  	s3 =	sadd.s32 s3, s9;
	s6 =	sadd.s32 @!p0 $0x88, s6;
	s7 =	simm.s32 @p2 $0x1082  }
0x22: {  	[simem:s7], [sflag:s8] =	dma.local @!p0 [hbm:s6], $0xF7A  }
0x23: {  	s9 =	sor.u32 $0xD0000000, s2;
	s6 =	simm.s32 $0x108;
	_ =	swait.ge @!p0 [sflag:s8], $0x0  }
0x24: {  	s3 =	sadd.s32 $0x88, s3;
	s6 =	simm.s32 @!p1 $0x1082;
	[sflag:s4] =	ssyncset.s32 $0xFFFFF086  }
0x25: {  	[simem:s6], [sflag:s4] =	dma.local [hbm:s3], $0xF7A  }
0x26: {  	[smem:$0x3F9B] =	sst s1;
	(tag) =	ssettag s2;
	_ =	strace s9  }
0x27: {  	s1 =	sld [smem:$0x3FAB]  }
0x28: {  	s2 =	sld [smem:$0x3FAC]  }
0x29: {  	s4 =	sld [smem:$0x3FAE]  }
0x2a: {  	p0 =	seq.s32 s5, $0x0;
	s5 =	sld [smem:$0x3FAF]  }
0x2b: {  	s6 =	sld [smem:$0x3FB0]  }
0x2c: {  	s7 =	sld [smem:$0x3FB1]  }
0x2d: {  	s3 =	simm.s32 $0x108;
	s8 =	sld [smem:$0x3FB2]  }
0x2e: {  	s3 =	simm.s32 @!p0 $0x1082;
	s9 =	sld [smem:$0x3FB3]  }
0x2f: {  	lr =	sadd.s32 s0, s3;
	s0 =	sld [smem:$0x3FAA]  }
0x30: {  	s3 =	sld [smem:$0x3FAD]  }
0x31: {  	[smem:$0x3FB6] =	sst s10  }
0x32: {  	s10 =	sld [smem:$0x3FB4];
	_ =	sdelay $0x3  }
0x33: {  	p0 =	seq.s32 s10, $0x1;
	s10 =	sld [smem:$0x3FB6];
	_ =	sdelay $0x3  }
0x34: {  	[smem:$0x3FB6] =	sst s10  }
0x35: {  	s10 =	sld [smem:$0x3FB5];
	_ =	sdelay $0x3  }
0x36: {  	p1 =	seq.s32 s10, $0x1;
	s10 =	sld [smem:$0x3FB6];
	_ =	sdelay $0x3  }
0x37: {  	[smem:$0x3FB6] =	sst s10  }
0x38: {  	s10 =	sld [smem:$0x3FB7]  }
0x39: {  	_ = 	snop;
	(pc) =	sbr.ind lr, $3  }
0x3a: {  	_ = 	snop  }
0x3b: {  	_ = 	snop  }
0x3c: {  	p2 =	seq.s32 s10, $0x1;
	s10 =	sld [smem:$0x3FB6]  }
0x3d: {  	_ =	shalt  }
0x3e: {  	_ =	shalt  }
0x3f: {  	_ =	shalt  }
0x40: {  	_ =	shalt  }
0x41: {  	_ =	shalt  }
0x42: {  	_ =	shalt  }
0x43: {  	_ =	shalt  }
0x44: {  	_ =	shalt  }
0x45: {  	_ =	shalt  }
0x46: {  	_ =	shalt  }
0x47: {  	_ =	shalt  }
0x48: {  	_ =	shalt  }
0x49: {  	_ =	shalt  }
0x4a: {  	_ =	shalt  }
0x4b: {  	_ =	shalt  }
0x4c: {  	_ =	shalt  }
0x4d: {  	_ =	shalt  }
0x4e: {  	_ =	shalt  }
0x4f: {  	_ =	shalt  }
0x50: {  	_ =	shalt  }
0x51: {  	_ =	shalt  }
0x52: {  	_ =	shalt  }
0x53: {  	_ =	shalt  }
0x54: {  	_ =	shalt  }
0x55: {  	_ =	shalt  }
0x56: {  	_ =	shalt  }
0x57: {  	_ =	shalt  }
0x58: {  	_ =	shalt  }
0x59: {  	_ =	shalt  }
0x5a: {  	_ =	shalt  }
0x5b: {  	_ =	shalt  }
0x5c: {  	_ =	shalt  }
0x5d: {  	_ =	shalt  }
0x5e: {  	_ =	shalt  }
0x5f: {  	_ =	shalt  }
0x60: {  	_ =	shalt  }
0x61: {  	_ =	shalt  }
0x62: {  	_ =	shalt  }
0x63: {  	_ =	shalt  }
0x64: {  	_ =	shalt  }
0x65: {  	_ =	shalt  }
0x66: {  	_ =	shalt  }
0x67: {  	_ =	shalt  }
0x68: {  	_ =	shalt  }
0x69: {  	_ =	shalt  }
0x6a: {  	_ =	shalt  }
0x6b: {  	_ =	shalt  }
0x6c: {  	_ =	shalt  }
0x6d: {  	_ =	shalt  }
0x6e: {  	_ =	shalt  }
0x6f: {  	_ =	shalt  }
0x70: {  	_ =	shalt  }
0x71: {  	_ =	shalt  }
0x72: {  	_ =	shalt  }
0x73: {  	_ =	shalt  }
0x74: {  	_ =	shalt  }
0x75: {  	_ =	shalt  }
0x76: {  	_ =	shalt  }
0x77: {  	_ =	shalt  }
0x78: {  	_ =	shalt  }
0x79: {  	_ =	shalt  }
0x7a: {  	_ =	shalt  }
0x7b: {  	_ =	shalt  }
0x7c: {  	_ =	shalt  }
0x7d: {  	_ =	shalt  }
0x7e: {  	_ =	shalt  }
0x7f: {  	_ =	shalt  }
0x80: {  	_ =	shalt  }
0x81: {  	_ =	shalt  }
0x82: {  	_ =	shalt  }
0x83: {  	_ =	shalt  }
0x84: {  	_ =	shalt  }
0x85: {  	_ =	shalt  }
0x86: {  	_ =	shalt  }
0x87: {  	_ =	shalt  }
.Lfunc_end0:
.L_simem_size_0:
called_computation.1_lowered:
.L_overlay_start_0:
0x88: {  	s2 =	sld [smem:$0x3FD9]  }
0x89: {  	s3 =	sld [smem:$0x3FFE];
	_ =	sdelay $0x1  }
0x8a: {  	s1 =	srdreg.scid  }
0x8b: {  	s0 =	sand.u32 $0x1, s1  }
0x8c: {  	s17 =	sshll.u32 s0, $0xA;
	s2 =	sadd.s32 s3, s2  }
0x8d: {  	s2 =	sadd.s32 s2, s17  }
0x8e: {  	[smem:$0x3FC2] =	sst s2  }
0x8f: {  	_ = 	snop  }
0x90: {  	s18 =	sld [smem:$0x3FC8];
	(tm) =	ssettm $0x1  }
0x91: {  	s19 =	sld [smem:$0x3FFB];
	_ =	sdelay $0x3  }
0x92: {  	_ =	strace s19  }
0x93: {  	s2 =	sld [smem:$0x3FFC];
	_ =	sdelay $0x3  }
0x94: {  	_ =	strace s2  }
0x95: {  	s2 =	sld [smem:$0x3FFD];
	_ =	sdelay $0x3  }
0x96: {  	_ =	strace s2  }
0x97: {  	_ =	strace $0x8FFFFFFF  }
0x98: {  	s20 =	sld [smem:$0x3FDB];
	_ =	sdelay $0x1  }
0x99: {  	s4 =	simm.s32 $_scs_section_size  }
0x9a: {  	s5 =	simm.s32 $_size__tile_overlayer_lowered;
	s6 =	simm.s32 $_tile_overlayer_lowered  }
0x9b: {  	s7 =	simm.s32 $0x1BFF;
	s21 =	sshll.u32 s6, $0x1;
	s4 =	sadd.s32 s4, s20  }
0x9c: {  	s22 =	simm.s32 $0x0;
	s5 =	sshll.u32 s5, $0x1;
	s6 =	sadd.s32 s21, s4  }
0x9d: {  	[timem:s22], [sflag:s7] =	dma.local [hbm:s6], s5  }
0x9e: {  	_ =	swait.ge [sflag:s7], s5  }
0x9f: {  	s5 =	ssub.s32 $0x0, s5;
	[sflag:s7] =	ssyncset.done $0x0  }
0xa0: {  	[sflag:s7] =	ssyncadd.s32 s5;
	_ =	sdelay $0x1  }
0xa1: {  	s23 =	simm.s32 $0x1B8B  }
0xa2: {  	_ =	swait.ge [sflag:s23], $0x1  }
0xa3: {  	[sflag:s23] =	ssyncset.done $0x0  }
0xa4: {  	[sflag:s23] =	ssyncadd.s32 $0xFFFFFFFF  }
0xa5: {  	s5 =	sld [smem:$0x0]  }
0xa6: {  	s6 =	sand.u32 $0xFFFFFFFE, s1  }
0xa7: {  	p0 =	sne.s32 s1, s6  }
0xa8: {  	s6 =	sshll.u32 @p0 s6, $0xE  }
0xa9: {  	s6 =	sadd.s32 @p0 $0x11B8D, s6;
	s7 =	sshll.u32 @p0 s5, $0x11  }
0xaa: {  	s6 =	sor.u32 @p0 s7, s6  }
0xab: {  	[sflag:s6] =	ssyncadd.remote.s32 @p0 $0x1;
	_ =	sdelay $0x1  }
0xac: {  	s6 =	simm.s32 @p0 $0x1B8D  }
0xad: {  	_ =	swait.eq @p0 [sflag:s6], $0x1  }
0xae: {  	[sflag:s6] =	ssyncadd.s32 @p0 $0xFFFFFFFF  }
0xaf: {  	s7 =	sshll.u32 @!p0 s1, $0xE  }
0xb0: {  	s7 =	sor.u32 @!p0 $0x4000, s7;
	s6 =	simm.s32 @!p0 $0x1B8D  }
0xb1: {  	s5 =	sshll.u32 @!p0 s5, $0x11;
	s7 =	sadd.s32 @!p0 $0x11B8D, s7;
	_ =	swait.eq @!p0 [sflag:s6], $0x1  }
0xb2: {  	s5 =	sor.u32 @!p0 s5, s7;
	[sflag:s6] =	ssyncadd.s32 @!p0 $0xFFFFFFFF  }
0xb3: {  	s25 =	simm.s32 $0x1B8E;
	s24 =	sld [smem:$0x3FFE];
	[sflag:s5] =	ssyncadd.remote.s32 @!p0 $0x1  }
0xb4: {  	s26 =	simm.s32 $execute0_lowered;
	[smem:$0x3FD2] =	sst s25  }
0xb5: {  	s6 =	sshll.u32 s26, $0x1;
	_ =	strace $0x80000049;
	[dreg:$0x1] =	wrdreg $0xFFFFFFFF  }
0xb6: {  	s28 =	simm.s32 $_size_execute0_lowered;
	s4 =	sadd.s32 s4, s6;
	[dreg:$0x0] =	wrdreg $0x0  }
0xb7: {  	s6 =	sshll.u32 s28, $0x1;
	[dreg:$0x2] =	wrdreg s4  }
0xb8: {  	[dreg:$0x3] =	wrdreg s6  }
0xb9: {  	[dreg:$0x4] =	wrdreg $0xC0  }
0xba: {  	_ =	task [dreg:s22], $0x5FFFF  }
0xbb: {  	[dreg:$0x1] =	wrdreg $0xFFFFFFFF  }
0xbc: {  	[dreg:$0x0] =	wrdreg $0x60  }
0xbd: {  	[dreg:$0x2] =	wrdreg s18  }
0xbe: {  	[dreg:$0x3] =	wrdreg s24  }
0xbf: {  	[dreg:$0x4] =	wrdreg $0xA  }
0xc0: {  	_ =	task.clear_ibuf [dreg:s22], $0x5FFFF;
	_ =	strace $0x90000049  }
0xc1: {  	s29 =	simm.s32 $0xA;
	_ =	strace $0x8000004B  }
0xc2: {  	_ =	swait.ge [sflag:s29], $0x1  }
0xc3: {  	[sflag:s29] =	ssyncadd.s32 $0xFFFFFFFF  }
0xc4: {  	_ =	strace $0x9000004B  }
0xc5: {  	_ =	sfence  }
0xc6: {  	s30 =	sld [smem:$0x0];
	_ =	sdelay $0x2  }
0xc7: {  	s31 =	sshll.u32 s1, $0xD;
	s1 =	sshrl.u32 s1, $0x2  }
0xc8: {  	s4 =	sand.u32 $0x4000, s31;
	s1 =	sadd.s32 s1, s30  }
0xc9: {  	s0 =	sor.u32 s4, s0;
	s1 =	sshll.u32 s1, $0x11  }
0xca: {  	s0 =	sor.u32 s1, s0  }
0xcb: {  	s0 =	sadd.s32 $0x8F2B, s0  }
0xcc: {  	[sflag:s0] =	ssyncadd.remote.s32 $0x1  }
0xcd: {  	_ =	sfence.sel $0xFFFF  }
0xce: {  	[dreg:$0x0] =	wrdreg $0xFFFFFFFF;
	(pc) =	sbr.abs _section_cstart, $3  }
0xcf: {  	[dreg:$0x1] =	wrdreg $0xFFFFFFFF  }
0xd0: {  	_ =	task.clear_ibuf [dreg:s22], $0x2FFFF;
	_ =	strace $0x9FFFFFFF  }
0xd1: {  	(tm) =	ssettm $0x7FFFFFFF  }
tec
execute0_lowered:
.L_overlay_start_1:
0x0: {  	(tag) =	ssettag $0x1  }
0x1: {  	s2 =	rddreg [dreg:$0x0]  }
0x2: {  	s0 =	rddreg [dreg:$0x1]  }
0x3: {  	s1 =	srdreg.scid;
	s7 =	stileid.u32  }
0x4: {  	s3 =	simm.s32 $0x0;
	s10 =	simm.s32 $0x1;
	s12 =	simm.s32 $0x2  }
0x5: {  	s14 =	simm.s32 $0xA00;
	s15 =	simm.s32 $0x1200;
	s16 =	simm.s32 $0x1A00  }
0x6: {  	s17 =	simm.s32 $0x2200;
	s18 =	simm.s32 $0x2A00;
	s19 =	simm.s32 $0x3200  }
0x7: {  	s20 =	simm.s32 $0x3A00;
	s21 =	simm.s32 $0x4200;
	s22 =	simm.s32 $0x4A00  }
0x8: {  	s23 =	simm.s32 $0x5200;
	s24 =	simm.s32 $0x5A00;
	s25 =	simm.s32 $0x6200  }
0x9: {  	s28 =	simm.s32 $0x7200;
	s29 =	simm.s32 $0x7A00;
	s30 =	simm.s32 $0x8200  }
0xa: {  	s31 =	simm.s32 $0x8A00;
	s11 =	simm.s32 $0xA200;
	s9 =	simm.s32 $0xB200  }
0xb: {  	s1 =	sand.u32 $0x1, s1;
	s4 =	sshll.u32 s7, $0x1;
	[smem:$0x7FF] =	sst s3  }
0xc: {  	s7 =	sshll.u32 s7, $0x7;
	s5 =	sshll.u32 s1, $0x6;
	s4 =	sor.u32 s1, s4  }
0xd: {  	_ =	strace $0x8000004A;
	s1 =	ssub.s32 $0x2, s1;
	s6 =	smul.u32 $0x6000, s4  }
0xe: {  	s5 =	sadd.s32 s5, s0;
	s4 =	smul.u32 $0x30000, s4;
	s8 =	sshrl.u32 s1, $0x1  }
0xf: {  	s0 =	sadd.s32 $0xC2000, s0;
	s5 =	sadd.s32 s7, s5;
	s1 =	ssub.s32 s1, s8  }
0x10: {  	s8 =	simm.s32 $0xAA00;
	s5 =	sadd.s32 $0xC1800, s5;
	s6 =	sadd.s32 s0, s6  }
0x11: {  	s4 =	sshrl.u32 s4, $0x3;
	s7 =	smax.u32 s1, $0x1;
	[dreg:$0x3] =	wrdreg s5  }
0x12: {  	[dreg:$0x7] =	wrdreg s6;
	s26 =	sadd.s32 $0x1800, s6;
	s0 =	sadd.s32 s0, s4  }
0x13: {  	v2 =	vlaneseq.u32;
	s5 =	sadd.s32 $0x100, s2;
	[dreg:$0x4] =	wrdreg s26;
	s4 =	sadd.s32 $0x3000, s0  }
0x14: {  	vm0 =	vmmov $0xffff;
	v1 =	vshrl.u32 v2, $0x3;
	s6 =	sadd.s32 $0x200, s2;
	s0 =	sadd.s32 $0x4800, s0;
	[dreg:$0x5] =	wrdreg s4  }
0x15: {  	v0 =	vand.u32 $0x7, v2;
	v2 =	vor.u32 $0x8, v2;
	v1 =	vmul.u32 $0x8, v1;
	s26 =	simm.s32 $0x6A00;
	[dreg:$0x6] =	wrdreg s0;
	s4 =	simm.s32 $0x200  }
.LBB2_1:
0x16: {  	s13 =	rddreg [dreg:$0x3];
	s0 =	simm.s32 $0x3  }
0x17: {  	[tilespmem:s3], [sflag:$0x3] =	stream.linear.gather [hbm4b:s13+s3], $0x200, $0x38;
	[tilespmem:$0x18200] =	vst v63  }
0x18: {  	_ =	swait.ge [sflag:s0], $0x200  }
0x19: {  	[sflag:s0] =	ssyncset.done $0x0  }
0x1a: {  	[sflag:s0] =	ssyncadd.s32 $0xFFFFFE00  }
0x1b: {  	v3 =	vld [tilespmem:$0x0];
	_ =	sdelay $0x4  }
0x1c: {  	v4 =	vshrl.u32 v3, $0x3  }
0x1d: {  	v4 =	vmul.u32 $0x30, v4  }
0x1e: {  	v3 =	vand.u32 $0x7, v3  }
0x1f: {  	v3 =	vor.u32 v3, v4  }
0x20: {  	v4 =	vperm.xlane v3, v0;
	_ =	sdelay $0x1  }
0x21: {  	v4 =	vadd.s32 v1, v4;
	_ =	sdelay $0x3  }
0x22: {  	v3 =	vperm.xlane v3, v2  }
0x23: {  	[tilespmem:s4], [sflag:$0x1] =	stream.indirect_vreg.gather [hbm4b:s2+s3], $0x80, v4, vm0, $0xb8;
	[tilespmem:$0x18200] =	vst v63  }
0x24: {  	v3 =	vadd.s32 v1, v3  }
0x25: {  	[tilespmem:s14], [sflag:$0x1] =	stream.indirect_vreg.gather [hbm4b:s5+s3], $0x80, v4, vm0, $0xb8;
	[tilespmem:$0x18200] =	vst v63  }
0x26: {  	_ = 	snop  }
0x27: {  	[tilespmem:s15], [sflag:$0x1] =	stream.indirect_vreg.gather [hbm4b:s6+s3], $0x80, v4, vm0, $0xb8;
	[tilespmem:$0x18200] =	vst v63  }
0x28: {  	_ = 	snop  }
0x29: {  	[tilespmem:s16], [sflag:$0x1] =	stream.indirect_vreg.gather [hbm4b:s2+s3], $0x80, v3, vm0, $0xb8;
	[tilespmem:$0x18200] =	vst v63  }
0x2a: {  	_ = 	snop  }
0x2b: {  	[tilespmem:s17], [sflag:$0x1] =	stream.indirect_vreg.gather [hbm4b:s5+s3], $0x80, v3, vm0, $0xb8;
	[tilespmem:$0x18200] =	vst v63  }
0x2c: {  	_ = 	snop  }
0x2d: {  	[tilespmem:s18], [sflag:$0x1] =	stream.indirect_vreg.gather [hbm4b:s6+s3], $0x80, v3, vm0, $0xb8;
	[tilespmem:$0x18200] =	vst v63  }
0x2e: {  	v3 =	vld [tilespmem:$0x10];
	_ =	sdelay $0x4  }
0x2f: {  	v49 =	vshrl.u32 v3, $0x3  }
0x30: {  	v4 =	vmul.u32 $0x30, v49  }
0x31: {  	v3 =	vand.u32 $0x7, v3  }
0x32: {  	v3 =	vor.u32 v3, v4  }
0x33: {  	v4 =	vperm.xlane v3, v0;
	_ =	sdelay $0x1  }
0x34: {  	v4 =	vadd.s32 v1, v4;
	_ =	sdelay $0x3  }
0x35: {  	v3 =	vperm.xlane v3, v2  }
0x36: {  	[tilespmem:s19], [sflag:$0x1] =	stream.indirect_vreg.gather [hbm4b:s2+s3], $0x80, v4, vm0, $0xb8;
	[tilespmem:$0x18200] =	vst v63  }
0x37: {  	v3 =	vadd.s32 v1, v3  }
0x38: {  	[tilespmem:s20], [sflag:$0x1] =	stream.indirect_vreg.gather [hbm4b:s5+s3], $0x80, v4, vm0, $0xb8;
	[tilespmem:$0x18200] =	vst v63  }
0x39: {  	_ = 	snop  }
0x3a: {  	[tilespmem:s21], [sflag:$0x1] =	stream.indirect_vreg.gather [hbm4b:s6+s3], $0x80, v4, vm0, $0xb8;
	[tilespmem:$0x18200] =	vst v63  }
0x3b: {  	_ = 	snop  }
0x3c: {  	[tilespmem:s22], [sflag:$0x1] =	stream.indirect_vreg.gather [hbm4b:s2+s3], $0x80, v3, vm0, $0xb8;
	[tilespmem:$0x18200] =	vst v63  }
0x3d: {  	_ = 	snop  }
0x3e: {  	[tilespmem:s23], [sflag:$0x1] =	stream.indirect_vreg.gather [hbm4b:s5+s3], $0x80, v3, vm0, $0xb8;
	[tilespmem:$0x18200] =	vst v63  }
0x3f: {  	_ = 	snop  }
0x40: {  	[tilespmem:s24], [sflag:$0x1] =	stream.indirect_vreg.gather [hbm4b:s6+s3], $0x80, v3, vm0, $0xb8;
	[tilespmem:$0x18200] =	vst v63  }
0x41: {  	v3 =	vld [tilespmem:$0x20];
	_ =	sdelay $0x4  }
0x42: {  	v50 =	vshrl.u32 v3, $0x3  }
0x43: {  	v4 =	vmul.u32 $0x30, v50  }
0x44: {  	v3 =	vand.u32 $0x7, v3  }
0x45: {  	v3 =	vor.u32 v3, v4  }
0x46: {  	v4 =	vperm.xlane v3, v0;
	_ =	sdelay $0x1  }
0x47: {  	v4 =	vadd.s32 v1, v4;
	_ =	sdelay $0x3  }
0x48: {  	v3 =	vperm.xlane v3, v2  }
0x49: {  	[tilespmem:s25], [sflag:$0x1] =	stream.indirect_vreg.gather [hbm4b:s2+s3], $0x80, v4, vm0, $0xb8;
	[tilespmem:$0x18200] =	vst v63  }
0x4a: {  	v3 =	vadd.s32 v1, v3  }
0x4b: {  	[tilespmem:s26], [sflag:$0x1] =	stream.indirect_vreg.gather [hbm4b:s5+s3], $0x80, v4, vm0, $0xb8;
	[tilespmem:$0x18200] =	vst v63  }
0x4c: {  	_ = 	snop  }
0x4d: {  	[tilespmem:s28], [sflag:$0x1] =	stream.indirect_vreg.gather [hbm4b:s6+s3], $0x80, v4, vm0, $0xb8;
	[tilespmem:$0x18200] =	vst v63  }
0x4e: {  	_ = 	snop  }
0x4f: {  	[tilespmem:s29], [sflag:$0x1] =	stream.indirect_vreg.gather [hbm4b:s2+s3], $0x80, v3, vm0, $0xb8;
	[tilespmem:$0x18200] =	vst v63  }
0x50: {  	_ = 	snop  }
0x51: {  	[tilespmem:s30], [sflag:$0x1] =	stream.indirect_vreg.gather [hbm4b:s5+s3], $0x80, v3, vm0, $0xb8;
	[tilespmem:$0x18200] =	vst v63  }
0x52: {  	_ = 	snop  }
0x53: {  	[tilespmem:s31], [sflag:$0x1] =	stream.indirect_vreg.gather [hbm4b:s6+s3], $0x80, v3, vm0, $0xb8;
	[tilespmem:$0x18200] =	vst v63  }
0x54: {  	v3 =	vld [tilespmem:$0x30];
	_ =	sdelay $0x4  }
0x55: {  	v51 =	vshrl.u32 v3, $0x3  }
0x56: {  	v4 =	vmul.u32 $0x30, v51  }
0x57: {  	v3 =	vand.u32 $0x7, v3  }
0x58: {  	v3 =	vor.u32 v3, v4  }
0x59: {  	v4 =	vperm.xlane v3, v0;
	_ =	sdelay $0x1  }
0x5a: {  	v4 =	vadd.s32 v1, v4;
	_ =	sdelay $0x3  }
0x5b: {  	s1 =	simm.s32 $0x9200;
	v3 =	vperm.xlane v3, v2  }
0x5c: {  	[tilespmem:s1], [sflag:$0x1] =	stream.indirect_vreg.gather [hbm4b:s2+s3], $0x80, v4, vm0, $0xb8;
	[tilespmem:$0x18200] =	vst v63  }
0x5d: {  	v3 =	vadd.s32 v1, v3;
	s1 =	simm.s32 $0x9A00  }
0x5e: {  	[tilespmem:s1], [sflag:$0x1] =	stream.indirect_vreg.gather [hbm4b:s5+s3], $0x80, v4, vm0, $0xb8;
	[tilespmem:$0x18200] =	vst v63  }
0x5f: {  	_ = 	snop  }
0x60: {  	[tilespmem:s11], [sflag:$0x1] =	stream.indirect_vreg.gather [hbm4b:s6+s3], $0x80, v4, vm0, $0xb8;
	[tilespmem:$0x18200] =	vst v63  }
0x61: {  	_ = 	snop  }
0x62: {  	[tilespmem:s8], [sflag:$0x1] =	stream.indirect_vreg.gather [hbm4b:s2+s3], $0x80, v3, vm0, $0xb8;
	[tilespmem:$0x18200] =	vst v63  }
0x63: {  	_ = 	snop  }
0x64: {  	[tilespmem:s9], [sflag:$0x1] =	stream.indirect_vreg.gather [hbm4b:s5+s3], $0x80, v3, vm0, $0xb8;
	[tilespmem:$0x18200] =	vst v63  }
0x65: {  	s13 =	simm.s32 $0xBA00  }
0x66: {  	[tilespmem:s13], [sflag:$0x1] =	stream.indirect_vreg.gather [hbm4b:s6+s3], $0x80, v3, vm0, $0xb8;
	[tilespmem:$0x18200] =	vst v63  }
0x67: {  	_ =	swait.ge [sflag:s10], $0xC000  }
0x68: {  	[sflag:s10] =	ssyncset.done $0x0  }
0x69: {  	s0 =	rddreg [dreg:$0x7];
	[sflag:s10] =	ssyncadd.s32 $0xFFFF4000  }
0x6a: {  	[hbm4b:s0+s3] =	stream.linear.scatter [tilespmem:s4], [sflag:$0x2], $0xC000, $0x38;
	[tilespmem:$0x18200] =	vst v63  }
0x6b: {  	v3 =	vld [tilespmem:$0x80];
	_ =	sdelay $0x4  }
0x6c: {  	v52 =	vshrl.u32 v3, $0x3  }
0x6d: {  	v4 =	vmul.u32 $0x30, v52  }
0x6e: {  	v3 =	vand.u32 $0x7, v3  }
0x6f: {  	v3 =	vor.u32 v3, v4  }
0x70: {  	v4 =	vperm.xlane v3, v0;
	_ =	sdelay $0x1  }
0x71: {  	v4 =	vadd.s32 v1, v4;
	_ =	sdelay $0x3  }
0x72: {  	s0 =	simm.s32 $0xC200;
	v3 =	vperm.xlane v3, v2  }
0x73: {  	[tilespmem:s0], [sflag:$0x1] =	stream.indirect_vreg.gather [hbm4b:s2+s3], $0x80, v4, vm0, $0xb8;
	[tilespmem:$0x18200] =	vst v63  }
0x74: {  	s13 =	simm.s32 $0xCA00;
	v3 =	vadd.s32 v1, v3  }
0x75: {  	[tilespmem:s13], [sflag:$0x1] =	stream.indirect_vreg.gather [hbm4b:s5+s3], $0x80, v4, vm0, $0xb8;
	[tilespmem:$0x18200] =	vst v63  }
0x76: {  	s13 =	simm.s32 $0xD200  }
0x77: {  	[tilespmem:s13], [sflag:$0x1] =	stream.indirect_vreg.gather [hbm4b:s6+s3], $0x80, v4, vm0, $0xb8;
	[tilespmem:$0x18200] =	vst v63  }
0x78: {  	s13 =	simm.s32 $0xDA00  }
0x79: {  	[tilespmem:s13], [sflag:$0x1] =	stream.indirect_vreg.gather [hbm4b:s2+s3], $0x80, v3, vm0, $0xb8;
	[tilespmem:$0x18200] =	vst v63  }
0x7a: {  	s13 =	simm.s32 $0xE200  }
0x7b: {  	[tilespmem:s13], [sflag:$0x1] =	stream.indirect_vreg.gather [hbm4b:s5+s3], $0x80, v3, vm0, $0xb8;
	[tilespmem:$0x18200] =	vst v63  }
0x7c: {  	s13 =	simm.s32 $0xEA00  }
0x7d: {  	[tilespmem:s13], [sflag:$0x1] =	stream.indirect_vreg.gather [hbm4b:s6+s3], $0x80, v3, vm0, $0xb8;
	[tilespmem:$0x18200] =	vst v63  }
0x7e: {  	v3 =	vld [tilespmem:$0x90];
	_ =	sdelay $0x4  }
0x7f: {  	v53 =	vshrl.u32 v3, $0x3  }
0x80: {  	v4 =	vmul.u32 $0x30, v53  }
0x81: {  	v3 =	vand.u32 $0x7, v3  }
0x82: {  	v3 =	vor.u32 v3, v4  }
0x83: {  	v4 =	vperm.xlane v3, v0;
	_ =	sdelay $0x1  }
0x84: {  	v4 =	vadd.s32 v1, v4;
	_ =	sdelay $0x3  }
0x85: {  	s13 =	simm.s32 $0xF200;
	v3 =	vperm.xlane v3, v2  }
0x86: {  	[tilespmem:s13], [sflag:$0x1] =	stream.indirect_vreg.gather [hbm4b:s2+s3], $0x80, v4, vm0, $0xb8;
	[tilespmem:$0x18200] =	vst v63  }
0x87: {  	v3 =	vadd.s32 v1, v3;
	s13 =	simm.s32 $0xFA00  }
0x88: {  	[tilespmem:s13], [sflag:$0x1] =	stream.indirect_vreg.gather [hbm4b:s5+s3], $0x80, v4, vm0, $0xb8;
	[tilespmem:$0x18200] =	vst v63  }
0x89: {  	s13 =	simm.s32 $0x10200  }
0x8a: {  	[tilespmem:s13], [sflag:$0x1] =	stream.indirect_vreg.gather [hbm4b:s6+s3], $0x80, v4, vm0, $0xb8;
	[tilespmem:$0x18200] =	vst v63  }
0x8b: {  	s13 =	simm.s32 $0x10A00  }
0x8c: {  	[tilespmem:s13], [sflag:$0x1] =	stream.indirect_vreg.gather [hbm4b:s2+s3], $0x80, v3, vm0, $0xb8;
	[tilespmem:$0x18200] =	vst v63  }
0x8d: {  	s13 =	simm.s32 $0x11200  }
0x8e: {  	[tilespmem:s13], [sflag:$0x1] =	stream.indirect_vreg.gather [hbm4b:s5+s3], $0x80, v3, vm0, $0xb8;
	[tilespmem:$0x18200] =	vst v63  }
0x8f: {  	s13 =	simm.s32 $0x11A00  }
0x90: {  	[tilespmem:s13], [sflag:$0x1] =	stream.indirect_vreg.gather [hbm4b:s6+s3], $0x80, v3, vm0, $0xb8;
	[tilespmem:$0x18200] =	vst v63  }
0x91: {  	v3 =	vld [tilespmem:$0xA0];
	_ =	sdelay $0x4  }
0x92: {  	v54 =	vshrl.u32 v3, $0x3  }
0x93: {  	v4 =	vmul.u32 $0x30, v54  }
0x94: {  	v3 =	vand.u32 $0x7, v3  }
0x95: {  	v3 =	vor.u32 v3, v4  }
0x96: {  	v4 =	vperm.xlane v3, v0;
	_ =	sdelay $0x1  }
0x97: {  	v4 =	vadd.s32 v1, v4;
	_ =	sdelay $0x3  }
0x98: {  	s13 =	simm.s32 $0x12200;
	v3 =	vperm.xlane v3, v2  }
0x99: {  	[tilespmem:s13], [sflag:$0x1] =	stream.indirect_vreg.gather [hbm4b:s2+s3], $0x80, v4, vm0, $0xb8;
	[tilespmem:$0x18200] =	vst v63  }
0x9a: {  	v3 =	vadd.s32 v1, v3;
	s13 =	simm.s32 $0x12A00  }
0x9b: {  	[tilespmem:s13], [sflag:$0x1] =	stream.indirect_vreg.gather [hbm4b:s5+s3], $0x80, v4, vm0, $0xb8;
	[tilespmem:$0x18200] =	vst v63  }
0x9c: {  	s13 =	simm.s32 $0x13200  }
0x9d: {  	[tilespmem:s13], [sflag:$0x1] =	stream.indirect_vreg.gather [hbm4b:s6+s3], $0x80, v4, vm0, $0xb8;
	[tilespmem:$0x18200] =	vst v63  }
0x9e: {  	s13 =	simm.s32 $0x13A00  }
0x9f: {  	[tilespmem:s13], [sflag:$0x1] =	stream.indirect_vreg.gather [hbm4b:s2+s3], $0x80, v3, vm0, $0xb8;
	[tilespmem:$0x18200] =	vst v63  }
0xa0: {  	s13 =	simm.s32 $0x14200  }
0xa1: {  	[tilespmem:s13], [sflag:$0x1] =	stream.indirect_vreg.gather [hbm4b:s5+s3], $0x80, v3, vm0, $0xb8;
	[tilespmem:$0x18200] =	vst v63  }
0xa2: {  	s13 =	simm.s32 $0x14A00  }
0xa3: {  	[tilespmem:s13], [sflag:$0x1] =	stream.indirect_vreg.gather [hbm4b:s6+s3], $0x80, v3, vm0, $0xb8;
	[tilespmem:$0x18200] =	vst v63  }
0xa4: {  	v3 =	vld [tilespmem:$0xB0];
	_ =	sdelay $0x4  }
0xa5: {  	v55 =	vshrl.u32 v3, $0x3  }
0xa6: {  	v4 =	vmul.u32 $0x30, v55  }
0xa7: {  	v3 =	vand.u32 $0x7, v3  }
0xa8: {  	v3 =	vor.u32 v3, v4  }
0xa9: {  	v4 =	vperm.xlane v3, v0;
	_ =	sdelay $0x1  }
0xaa: {  	v4 =	vadd.s32 v1, v4;
	_ =	sdelay $0x3  }
0xab: {  	s13 =	simm.s32 $0x15200;
	v3 =	vperm.xlane v3, v2  }
0xac: {  	[tilespmem:s13], [sflag:$0x1] =	stream.indirect_vreg.gather [hbm4b:s2+s3], $0x80, v4, vm0, $0xb8;
	[tilespmem:$0x18200] =	vst v63  }
0xad: {  	v3 =	vadd.s32 v1, v3;
	s13 =	simm.s32 $0x15A00  }
0xae: {  	[tilespmem:s13], [sflag:$0x1] =	stream.indirect_vreg.gather [hbm4b:s5+s3], $0x80, v4, vm0, $0xb8;
	[tilespmem:$0x18200] =	vst v63  }
0xaf: {  	s13 =	simm.s32 $0x16200  }
0xb0: {  	[tilespmem:s13], [sflag:$0x1] =	stream.indirect_vreg.gather [hbm4b:s6+s3], $0x80, v4, vm0, $0xb8;
	[tilespmem:$0x18200] =	vst v63  }
0xb1: {  	s13 =	simm.s32 $0x16A00  }
0xb2: {  	[tilespmem:s13], [sflag:$0x1] =	stream.indirect_vreg.gather [hbm4b:s2+s3], $0x80, v3, vm0, $0xb8;
	[tilespmem:$0x18200] =	vst v63  }
0xb3: {  	s13 =	simm.s32 $0x17200  }
0xb4: {  	[tilespmem:s13], [sflag:$0x1] =	stream.indirect_vreg.gather [hbm4b:s5+s3], $0x80, v3, vm0, $0xb8;
	[tilespmem:$0x18200] =	vst v63  }
0xb5: {  	s13 =	simm.s32 $0x17A00  }
0xb6: {  	[tilespmem:s13], [sflag:$0x1] =	stream.indirect_vreg.gather [hbm4b:s6+s3], $0x80, v3, vm0, $0xb8;
	[tilespmem:$0x18200] =	vst v63  }
0xb7: {  	_ =	swait.ge [sflag:s10], $0xC000  }
0xb8: {  	[sflag:s10] =	ssyncset.done $0x0  }
0xb9: {  	s13 =	rddreg [dreg:$0x4];
	[sflag:s10] =	ssyncadd.s32 $0xFFFF4000  }
0xba: {  	[hbm4b:s13+s3] =	stream.linear.scatter [tilespmem:s0], [sflag:$0x2], $0xC000, $0x38;
	[tilespmem:$0x18200] =	vst v63  }
0xbb: {  	_ =	swait.ge [sflag:s12], $0xC000  }
0xbc: {  	[sflag:s12] =	ssyncset.done $0x0  }
0xbd: {  	[sflag:s12] =	ssyncadd.s32 $0xFFFF4000  }
0xbe: {  	v3 =	vld [tilespmem:$0x100];
	_ =	sdelay $0x4  }
0xbf: {  	v56 =	vshrl.u32 v3, $0x3  }
0xc0: {  	v4 =	vmul.u32 $0x30, v56  }
0xc1: {  	v3 =	vand.u32 $0x7, v3  }
0xc2: {  	v3 =	vor.u32 v3, v4  }
0xc3: {  	v4 =	vperm.xlane v3, v0;
	_ =	sdelay $0x1  }
0xc4: {  	v4 =	vadd.s32 v1, v4;
	_ =	sdelay $0x3  }
0xc5: {  	v3 =	vperm.xlane v3, v2  }
0xc6: {  	[tilespmem:s4], [sflag:$0x1] =	stream.indirect_vreg.gather [hbm4b:s2+s3], $0x80, v4, vm0, $0xb8;
	[tilespmem:$0x18200] =	vst v63  }
0xc7: {  	v3 =	vadd.s32 v1, v3  }
0xc8: {  	[tilespmem:s14], [sflag:$0x1] =	stream.indirect_vreg.gather [hbm4b:s5+s3], $0x80, v4, vm0, $0xb8;
	[tilespmem:$0x18200] =	vst v63  }
0xc9: {  	_ = 	snop  }
0xca: {  	[tilespmem:s15], [sflag:$0x1] =	stream.indirect_vreg.gather [hbm4b:s6+s3], $0x80, v4, vm0, $0xb8;
	[tilespmem:$0x18200] =	vst v63  }
0xcb: {  	_ = 	snop  }
0xcc: {  	[tilespmem:s16], [sflag:$0x1] =	stream.indirect_vreg.gather [hbm4b:s2+s3], $0x80, v3, vm0, $0xb8;
	[tilespmem:$0x18200] =	vst v63  }
0xcd: {  	_ = 	snop  }
0xce: {  	[tilespmem:s17], [sflag:$0x1] =	stream.indirect_vreg.gather [hbm4b:s5+s3], $0x80, v3, vm0, $0xb8;
	[tilespmem:$0x18200] =	vst v63  }
0xcf: {  	_ = 	snop  }
0xd0: {  	[tilespmem:s18], [sflag:$0x1] =	stream.indirect_vreg.gather [hbm4b:s6+s3], $0x80, v3, vm0, $0xb8;
	[tilespmem:$0x18200] =	vst v63  }
0xd1: {  	v3 =	vld [tilespmem:$0x110];
	_ =	sdelay $0x4  }
0xd2: {  	v57 =	vshrl.u32 v3, $0x3  }
0xd3: {  	v4 =	vmul.u32 $0x30, v57  }
0xd4: {  	v3 =	vand.u32 $0x7, v3  }
0xd5: {  	v3 =	vor.u32 v3, v4  }
0xd6: {  	v4 =	vperm.xlane v3, v0;
	_ =	sdelay $0x1  }
0xd7: {  	v4 =	vadd.s32 v1, v4;
	_ =	sdelay $0x3  }
0xd8: {  	v3 =	vperm.xlane v3, v2  }
0xd9: {  	[tilespmem:s19], [sflag:$0x1] =	stream.indirect_vreg.gather [hbm4b:s2+s3], $0x80, v4, vm0, $0xb8;
	[tilespmem:$0x18200] =	vst v63  }
0xda: {  	v3 =	vadd.s32 v1, v3  }
0xdb: {  	[tilespmem:s20], [sflag:$0x1] =	stream.indirect_vreg.gather [hbm4b:s5+s3], $0x80, v4, vm0, $0xb8;
	[tilespmem:$0x18200] =	vst v63  }
0xdc: {  	_ = 	snop  }
0xdd: {  	[tilespmem:s21], [sflag:$0x1] =	stream.indirect_vreg.gather [hbm4b:s6+s3], $0x80, v4, vm0, $0xb8;
	[tilespmem:$0x18200] =	vst v63  }
0xde: {  	_ = 	snop  }
0xdf: {  	[tilespmem:s22], [sflag:$0x1] =	stream.indirect_vreg.gather [hbm4b:s2+s3], $0x80, v3, vm0, $0xb8;
	[tilespmem:$0x18200] =	vst v63  }
0xe0: {  	_ = 	snop  }
0xe1: {  	[tilespmem:s23], [sflag:$0x1] =	stream.indirect_vreg.gather [hbm4b:s5+s3], $0x80, v3, vm0, $0xb8;
	[tilespmem:$0x18200] =	vst v63  }
0xe2: {  	_ = 	snop  }
0xe3: {  	[tilespmem:s24], [sflag:$0x1] =	stream.indirect_vreg.gather [hbm4b:s6+s3], $0x80, v3, vm0, $0xb8;
	[tilespmem:$0x18200] =	vst v63  }
0xe4: {  	v3 =	vld [tilespmem:$0x120];
	_ =	sdelay $0x4  }
0xe5: {  	v58 =	vshrl.u32 v3, $0x3  }
0xe6: {  	v4 =	vmul.u32 $0x30, v58  }
0xe7: {  	v3 =	vand.u32 $0x7, v3  }
0xe8: {  	v3 =	vor.u32 v3, v4  }
0xe9: {  	v4 =	vperm.xlane v3, v0;
	_ =	sdelay $0x1  }
0xea: {  	v4 =	vadd.s32 v1, v4;
	_ =	sdelay $0x3  }
0xeb: {  	v3 =	vperm.xlane v3, v2  }
0xec: {  	[tilespmem:s25], [sflag:$0x1] =	stream.indirect_vreg.gather [hbm4b:s2+s3], $0x80, v4, vm0, $0xb8;
	[tilespmem:$0x18200] =	vst v63  }
0xed: {  	v3 =	vadd.s32 v1, v3  }
0xee: {  	[tilespmem:s26], [sflag:$0x1] =	stream.indirect_vreg.gather [hbm4b:s5+s3], $0x80, v4, vm0, $0xb8;
	[tilespmem:$0x18200] =	vst v63  }
0xef: {  	_ = 	snop  }
0xf0: {  	[tilespmem:s28], [sflag:$0x1] =	stream.indirect_vreg.gather [hbm4b:s6+s3], $0x80, v4, vm0, $0xb8;
	[tilespmem:$0x18200] =	vst v63  }
0xf1: {  	_ = 	snop  }
0xf2: {  	[tilespmem:s29], [sflag:$0x1] =	stream.indirect_vreg.gather [hbm4b:s2+s3], $0x80, v3, vm0, $0xb8;
	[tilespmem:$0x18200] =	vst v63  }
0xf3: {  	_ = 	snop  }
0xf4: {  	[tilespmem:s30], [sflag:$0x1] =	stream.indirect_vreg.gather [hbm4b:s5+s3], $0x80, v3, vm0, $0xb8;
	[tilespmem:$0x18200] =	vst v63  }
0xf5: {  	_ = 	snop  }
0xf6: {  	[tilespmem:s31], [sflag:$0x1] =	stream.indirect_vreg.gather [hbm4b:s6+s3], $0x80, v3, vm0, $0xb8;
	[tilespmem:$0x18200] =	vst v63  }
0xf7: {  	v3 =	vld [tilespmem:$0x130];
	_ =	sdelay $0x4  }
0xf8: {  	v59 =	vshrl.u32 v3, $0x3  }
0xf9: {  	v4 =	vmul.u32 $0x30, v59  }
0xfa: {  	v3 =	vand.u32 $0x7, v3  }
0xfb: {  	v3 =	vor.u32 v3, v4  }
0xfc: {  	v4 =	vperm.xlane v3, v0;
	_ =	sdelay $0x1  }
0xfd: {  	v4 =	vadd.s32 v1, v4;
	_ =	sdelay $0x3  }
0xfe: {  	s13 =	simm.s32 $0x9200;
	v3 =	vperm.xlane v3, v2  }
0xff: {  	[tilespmem:s13], [sflag:$0x1] =	stream.indirect_vreg.gather [hbm4b:s2+s3], $0x80, v4, vm0, $0xb8;
	[tilespmem:$0x18200] =	vst v63  }
0x100: {  	v3 =	vadd.s32 v1, v3  }
0x101: {  	[tilespmem:s1], [sflag:$0x1] =	stream.indirect_vreg.gather [hbm4b:s5+s3], $0x80, v4, vm0, $0xb8;
	[tilespmem:$0x18200] =	vst v63  }
0x102: {  	_ = 	snop  }
0x103: {  	[tilespmem:s11], [sflag:$0x1] =	stream.indirect_vreg.gather [hbm4b:s6+s3], $0x80, v4, vm0, $0xb8;
	[tilespmem:$0x18200] =	vst v63  }
0x104: {  	_ = 	snop  }
0x105: {  	[tilespmem:s8], [sflag:$0x1] =	stream.indirect_vreg.gather [hbm4b:s2+s3], $0x80, v3, vm0, $0xb8;
	[tilespmem:$0x18200] =	vst v63  }
0x106: {  	_ = 	snop  }
0x107: {  	[tilespmem:s9], [sflag:$0x1] =	stream.indirect_vreg.gather [hbm4b:s5+s3], $0x80, v3, vm0, $0xb8;
	[tilespmem:$0x18200] =	vst v63  }
0x108: {  	s13 =	simm.s32 $0xBA00  }
0x109: {  	[tilespmem:s13], [sflag:$0x1] =	stream.indirect_vreg.gather [hbm4b:s6+s3], $0x80, v3, vm0, $0xb8;
	[tilespmem:$0x18200] =	vst v63  }
0x10a: {  	_ =	swait.ge [sflag:s10], $0xC000  }
0x10b: {  	[sflag:s10] =	ssyncset.done $0x0  }
0x10c: {  	s1 =	rddreg [dreg:$0x5];
	[sflag:s10] =	ssyncadd.s32 $0xFFFF4000  }
0x10d: {  	[hbm4b:s1+s3] =	stream.linear.scatter [tilespmem:s4], [sflag:$0x2], $0xC000, $0x38;
	[tilespmem:$0x18200] =	vst v63  }
0x10e: {  	_ =	swait.ge [sflag:s12], $0xC000  }
0x10f: {  	[sflag:s12] =	ssyncset.done $0x0  }
0x110: {  	[sflag:s12] =	ssyncadd.s32 $0xFFFF4000  }
0x111: {  	v3 =	vld [tilespmem:$0x180];
	_ =	sdelay $0x4  }
0x112: {  	v60 =	vshrl.u32 v3, $0x3  }
0x113: {  	v4 =	vmul.u32 $0x30, v60  }
0x114: {  	v3 =	vand.u32 $0x7, v3  }
0x115: {  	v3 =	vor.u32 v3, v4  }
0x116: {  	v4 =	vperm.xlane v3, v0;
	_ =	sdelay $0x1  }
0x117: {  	v4 =	vadd.s32 v1, v4;
	_ =	sdelay $0x3  }
0x118: {  	v3 =	vperm.xlane v3, v2  }
0x119: {  	[tilespmem:s0], [sflag:$0x1] =	stream.indirect_vreg.gather [hbm4b:s2+s3], $0x80, v4, vm0, $0xb8;
	[tilespmem:$0x18200] =	vst v63  }
0x11a: {  	s13 =	simm.s32 $0xCA00;
	v3 =	vadd.s32 v1, v3  }
0x11b: {  	[tilespmem:s13], [sflag:$0x1] =	stream.indirect_vreg.gather [hbm4b:s5+s3], $0x80, v4, vm0, $0xb8;
	[tilespmem:$0x18200] =	vst v63  }
0x11c: {  	s13 =	simm.s32 $0xD200  }
0x11d: {  	[tilespmem:s13], [sflag:$0x1] =	stream.indirect_vreg.gather [hbm4b:s6+s3], $0x80, v4, vm0, $0xb8;
	[tilespmem:$0x18200] =	vst v63  }
0x11e: {  	s13 =	simm.s32 $0xDA00  }
0x11f: {  	[tilespmem:s13], [sflag:$0x1] =	stream.indirect_vreg.gather [hbm4b:s2+s3], $0x80, v3, vm0, $0xb8;
	[tilespmem:$0x18200] =	vst v63  }
0x120: {  	s13 =	simm.s32 $0xE200  }
0x121: {  	[tilespmem:s13], [sflag:$0x1] =	stream.indirect_vreg.gather [hbm4b:s5+s3], $0x80, v3, vm0, $0xb8;
	[tilespmem:$0x18200] =	vst v63  }
0x122: {  	s13 =	simm.s32 $0xEA00  }
0x123: {  	[tilespmem:s13], [sflag:$0x1] =	stream.indirect_vreg.gather [hbm4b:s6+s3], $0x80, v3, vm0, $0xb8;
	[tilespmem:$0x18200] =	vst v63  }
0x124: {  	v3 =	vld [tilespmem:$0x190];
	_ =	sdelay $0x4  }
0x125: {  	v61 =	vshrl.u32 v3, $0x3  }
0x126: {  	v4 =	vmul.u32 $0x30, v61  }
0x127: {  	v3 =	vand.u32 $0x7, v3  }
0x128: {  	v3 =	vor.u32 v3, v4  }
0x129: {  	v4 =	vperm.xlane v3, v0;
	_ =	sdelay $0x1  }
0x12a: {  	v4 =	vadd.s32 v1, v4;
	_ =	sdelay $0x3  }
0x12b: {  	s13 =	simm.s32 $0xF200;
	v3 =	vperm.xlane v3, v2  }
0x12c: {  	[tilespmem:s13], [sflag:$0x1] =	stream.indirect_vreg.gather [hbm4b:s2+s3], $0x80, v4, vm0, $0xb8;
	[tilespmem:$0x18200] =	vst v63  }
0x12d: {  	v3 =	vadd.s32 v1, v3;
	s13 =	simm.s32 $0xFA00  }
0x12e: {  	[tilespmem:s13], [sflag:$0x1] =	stream.indirect_vreg.gather [hbm4b:s5+s3], $0x80, v4, vm0, $0xb8;
	[tilespmem:$0x18200] =	vst v63  }
0x12f: {  	s13 =	simm.s32 $0x10200  }
0x130: {  	[tilespmem:s13], [sflag:$0x1] =	stream.indirect_vreg.gather [hbm4b:s6+s3], $0x80, v4, vm0, $0xb8;
	[tilespmem:$0x18200] =	vst v63  }
0x131: {  	s13 =	simm.s32 $0x10A00  }
0x132: {  	[tilespmem:s13], [sflag:$0x1] =	stream.indirect_vreg.gather [hbm4b:s2+s3], $0x80, v3, vm0, $0xb8;
	[tilespmem:$0x18200] =	vst v63  }
0x133: {  	s13 =	simm.s32 $0x11200  }
0x134: {  	[tilespmem:s13], [sflag:$0x1] =	stream.indirect_vreg.gather [hbm4b:s5+s3], $0x80, v3, vm0, $0xb8;
	[tilespmem:$0x18200] =	vst v63  }
0x135: {  	s13 =	simm.s32 $0x11A00  }
0x136: {  	[tilespmem:s13], [sflag:$0x1] =	stream.indirect_vreg.gather [hbm4b:s6+s3], $0x80, v3, vm0, $0xb8;
	[tilespmem:$0x18200] =	vst v63  }
0x137: {  	v3 =	vld [tilespmem:$0x1A0];
	_ =	sdelay $0x4  }
0x138: {  	v62 =	vshrl.u32 v3, $0x3  }
0x139: {  	v4 =	vmul.u32 $0x30, v62  }
0x13a: {  	v3 =	vand.u32 $0x7, v3  }
0x13b: {  	v3 =	vor.u32 v3, v4  }
0x13c: {  	v4 =	vperm.xlane v3, v0;
	_ =	sdelay $0x1  }
0x13d: {  	v4 =	vadd.s32 v1, v4;
	_ =	sdelay $0x3  }
0x13e: {  	s13 =	simm.s32 $0x12200;
	v3 =	vperm.xlane v3, v2  }
0x13f: {  	[tilespmem:s13], [sflag:$0x1] =	stream.indirect_vreg.gather [hbm4b:s2+s3], $0x80, v4, vm0, $0xb8;
	[tilespmem:$0x18200] =	vst v63  }
0x140: {  	v3 =	vadd.s32 v1, v3;
	s13 =	simm.s32 $0x12A00  }
0x141: {  	[tilespmem:s13], [sflag:$0x1] =	stream.indirect_vreg.gather [hbm4b:s5+s3], $0x80, v4, vm0, $0xb8;
	[tilespmem:$0x18200] =	vst v63  }
0x142: {  	s13 =	simm.s32 $0x13200  }
0x143: {  	[tilespmem:s13], [sflag:$0x1] =	stream.indirect_vreg.gather [hbm4b:s6+s3], $0x80, v4, vm0, $0xb8;
	[tilespmem:$0x18200] =	vst v63  }
0x144: {  	s13 =	simm.s32 $0x13A00  }
0x145: {  	[tilespmem:s13], [sflag:$0x1] =	stream.indirect_vreg.gather [hbm4b:s2+s3], $0x80, v3, vm0, $0xb8;
	[tilespmem:$0x18200] =	vst v63  }
0x146: {  	s13 =	simm.s32 $0x14200  }
0x147: {  	[tilespmem:s13], [sflag:$0x1] =	stream.indirect_vreg.gather [hbm4b:s5+s3], $0x80, v3, vm0, $0xb8;
	[tilespmem:$0x18200] =	vst v63  }
0x148: {  	s13 =	simm.s32 $0x14A00  }
0x149: {  	[tilespmem:s13], [sflag:$0x1] =	stream.indirect_vreg.gather [hbm4b:s6+s3], $0x80, v3, vm0, $0xb8;
	[tilespmem:$0x18200] =	vst v63  }
0x14a: {  	v3 =	vld [tilespmem:$0x1B0];
	_ =	sdelay $0x4  }
0x14b: {  	v63 =	vshrl.u32 v3, $0x3  }
0x14c: {  	v4 =	vmul.u32 $0x30, v63  }
0x14d: {  	v3 =	vand.u32 $0x7, v3  }
0x14e: {  	v3 =	vor.u32 v3, v4  }
0x14f: {  	v4 =	vperm.xlane v3, v0;
	_ =	sdelay $0x1  }
0x150: {  	v4 =	vadd.s32 v1, v4;
	_ =	sdelay $0x3  }
0x151: {  	s13 =	simm.s32 $0x15200;
	v3 =	vperm.xlane v3, v2  }
0x152: {  	[tilespmem:s13], [sflag:$0x1] =	stream.indirect_vreg.gather [hbm4b:s2+s3], $0x80, v4, vm0, $0xb8;
	[tilespmem:$0x18200] =	vst v63  }
0x153: {  	v3 =	vadd.s32 v1, v3;
	s13 =	simm.s32 $0x15A00  }
0x154: {  	[tilespmem:s13], [sflag:$0x1] =	stream.indirect_vreg.gather [hbm4b:s5+s3], $0x80, v4, vm0, $0xb8;
	[tilespmem:$0x18200] =	vst v63  }
0x155: {  	s13 =	simm.s32 $0x16200  }
0x156: {  	[tilespmem:s13], [sflag:$0x1] =	stream.indirect_vreg.gather [hbm4b:s6+s3], $0x80, v4, vm0, $0xb8;
	[tilespmem:$0x18200] =	vst v63  }
0x157: {  	s13 =	simm.s32 $0x16A00  }
0x158: {  	[tilespmem:s13], [sflag:$0x1] =	stream.indirect_vreg.gather [hbm4b:s2+s3], $0x80, v3, vm0, $0xb8;
	[tilespmem:$0x18200] =	vst v63  }
0x159: {  	s13 =	simm.s32 $0x17200  }
0x15a: {  	[tilespmem:s13], [sflag:$0x1] =	stream.indirect_vreg.gather [hbm4b:s5+s3], $0x80, v3, vm0, $0xb8;
	[tilespmem:$0x18200] =	vst v63  }
0x15b: {  	s13 =	simm.s32 $0x17A00  }
0x15c: {  	[tilespmem:s13], [sflag:$0x1] =	stream.indirect_vreg.gather [hbm4b:s6+s3], $0x80, v3, vm0, $0xb8;
	[tilespmem:$0x18200] =	vst v63  }
0x15d: {  	_ =	swait.ge [sflag:s10], $0xC000  }
0x15e: {  	[sflag:s10] =	ssyncset.done $0x0  }
0x15f: {  	s1 =	rddreg [dreg:$0x6];
	[sflag:s10] =	ssyncadd.s32 $0xFFFF4000  }
0x160: {  	[hbm4b:s1+s3] =	stream.linear.scatter [tilespmem:s0], [sflag:$0x2], $0xC000, $0x38;
	[tilespmem:$0x18200] =	vst v63  }
0x161: {  	p0 =	sne.s32 s7, $0x1;
	_ =	swait.ge [sflag:s12], $0xC000  }
.Ltmp0:
0x162: {  	[sflag:s12] =	ssyncset.done $0x0;
	(pc) =	sbr.rel @p0 .LBB2_1-.Ltmp0, $4  }
0x163: {  	[sflag:s12] =	ssyncadd.s32 $0xFFFF4000  }
0x164: {  	_ =	swait.ge [sflag:s12], $0xC000  }
0x165: {  	[sflag:s12] =	ssyncset.done $0x0  }
0x166: {  	s7 =	sadd.s32 $0xFFFFFFFF, s7;
	[sflag:s12] =	ssyncadd.s32 $0xFFFF4000  }
0x167: {  	_ =	sfence.sel $0x180000  }
0x168: {  	[bflag:$0x0] =	sbarrier.arrive $0xFFFF  }
0x169: {  	_ =	strace $0x9000004A  }
0x16a: {  	s0 =	stileid.u32;
	[bflag:$0x2] =	sbarrier.arrive $0xFFFF  }
0x16b: {  	p0 =	sne.s32 s0, $0x0;
	s0 =	rddreg [dreg:$0x2]  }
0x16c: {  	s0 =	sadd.s32 @!p0 $0x100000, s0  }
0x16d: {  	[sflag:s0] =	ssyncadd.tile.s32 @!p0 $0x1;
	_ =	shalt  }
.Lfunc_end2:
_tile_overlayer_lowered:
.L_overlay_start_2:
0x16e: {  	(tag) =	ssettag $0x2  }
0x16f: {  	s0 =	rddreg [dreg:$0x0];
	s2 =	stileid.u32  }
0x170: {  	s1 =	rddreg [dreg:$0x1];
	p0 =	sne.s32 s2, $0x0  }
0x171: {  	s3 =	rddreg [dreg:$0x2];
	[bflag:$0x3] =	sbarrier.arrive $0xFFFF;
	s2 =	simm.s32 @!p0 $0x1C03  }
0x172: {  	[timem:s3], [sflag:s2] =	dma.local @!p0 [hbm:s0], s1  }
0x173: {  	s0 =	simm.s32 @!p0 $0x3  }
0x174: {  	_ =	swait.ge @!p0 [sflag:s0], s1  }
0x175: {  	s1 =	ssub.s32 @!p0 $0x0, s1;
	[sflag:s0] =	ssyncset.done @!p0 $0x0  }
0x176: {  	[sflag:s0] =	ssyncadd.s32 @!p0 s1  }
0x177: {  	[bflag:$0x3] =	sbarrier.arrive $0xFFFF  }
0x178: {  	_ =	shalt  }

</sc_bundles>
